<compile_context>
chip_gen: v7x
topology: tpu7x:2x2x1
jax: 0.10.2.dev20260603
libtpu: 0.0.44.dev20260713+nightly
codegen_flags: <defaults>
</compile_context>

<pallas_src>
import functools

import jax
import jax.numpy as jnp
from jax import lax
from jax.experimental import pallas as pl
from jax.experimental.pallas import tpu as pltpu
from jax.experimental.pallas import tpu_sc as plsc

N_PTS = 200000
FDIM = 64
TDIM = 64
TD128 = 128
MT = 256
KNN = 16
HID = 64
BN = 2048
NB = 100
NP = BN * NB
R2 = 400
C2 = 512
FBIG = 3.0e38
NEG = -3.0e38


def _k1_body(feat_ref, c4_ref, gn_ref, w1_ref, b1_ref, w2_ref, b2_ref,
             wi1f_ref, wi1c_ref, bi1_ref, lng_ref, lnb_ref, wi2_ref,
             bi2_ref, wi3t_ref, bi3_ref, tmp_ref,
             feats_ref, pert_ref, bn_ref):
    x = feat_ref[:, :]
    c4 = c4_ref[:, :]
    h = jnp.maximum(jnp.dot(x, w1_ref[:, :], preferred_element_type=jnp.float32)
                    + b1_ref[:, :], 0.0)
    feats = jnp.dot(h, w2_ref[:, :], preferred_element_type=jnp.float32) + b2_ref[:, :]
    feats_ref[:, :] = feats
    hi = jnp.dot(feats, wi1f_ref[:, :], preferred_element_type=jnp.float32) \
        + jnp.dot(c4, wi1c_ref[:, :], preferred_element_type=jnp.float32) \
        + bi1_ref[:, :]
    hi = jnp.maximum(hi, 0.0)
    mu = jnp.mean(hi, axis=1, keepdims=True)
    d = hi - mu
    var = jnp.mean(d * d, axis=1, keepdims=True)
    hi = d * jax.lax.rsqrt(var + 1e-5) * lng_ref[:, :] + lnb_ref[:, :]
    hi = jnp.maximum(jnp.dot(hi, wi2_ref[:, :], preferred_element_type=jnp.float32)
                     + bi2_ref[:, :], 0.0)
    imp = jnp.sum(hi * wi3t_ref[:, :], axis=1, keepdims=True) + bi3_ref[:, :]
    pert_ref[:, :] = (imp + gn_ref[:, :]) / tmp_ref[:, :]
    bn_ref[:, :] = jnp.sum(c4 * c4, axis=1, keepdims=True)


def _run_k1(features_p, coords4_p, gnoise_p, W1, b1, W2, b2, Wi1f, Wi1c,
            bi1, ln_g, ln_b, Wi2, bi2, Wi3t, bi3, tempc):
    full = lambda shp: pl.BlockSpec(shp, lambda i: (0, 0))
    return pl.pallas_call(
        _k1_body,
        grid=(NB,),
        in_specs=[
            pl.BlockSpec((BN, FDIM), lambda i: (i, 0)),
            pl.BlockSpec((BN, 4), lambda i: (i, 0)),
            pl.BlockSpec((BN, 1), lambda i: (i, 0)),
            full((FDIM, 64)), full((1, 64)), full((64, TD128)), full((1, TD128)),
            full((TD128, HID)), full((4, HID)), full((1, HID)),
            full((1, HID)), full((1, HID)), full((HID, HID)), full((1, HID)),
            full((1, HID)), full((1, 1)), full((1, 1)),
        ],
        out_specs=[
            pl.BlockSpec((BN, TD128), lambda i: (i, 0)),
            pl.BlockSpec((BN, 1), lambda i: (i, 0)),
            pl.BlockSpec((BN, 1), lambda i: (i, 0)),
        ],
        out_shape=[
            jax.ShapeDtypeStruct((NP, TD128), jnp.float32),
            jax.ShapeDtypeStruct((NP, 1), jnp.float32),
            jax.ShapeDtypeStruct((NP, 1), jnp.float32),
        ],
    )(features_p, coords4_p, gnoise_p, W1, b1, W2, b2, Wi1f, Wi1c, bi1,
      ln_g, ln_b, Wi2, bi2, Wi3t, bi3, tempc)


def _k2_body(pert_ref, c4_ref, sel_ref, cen_ref, a_ref, rm_ref):
    a_ref[:, :] = pert_ref[:, :]
    rm_ref[:, :] = jnp.max(pert_ref[:, :], axis=1, keepdims=True)

    def step(i, _):
        rmv = rm_ref[:, :]
        m = jnp.max(rmv)
        riota = lax.broadcasted_iota(jnp.int32, (R2, 1), 0)
        r = jnp.min(jnp.where(rmv >= m, riota, R2))
        row = a_ref[pl.ds(r, 1), :]
        ciota = lax.broadcasted_iota(jnp.int32, (1, C2), 1)
        c = jnp.min(jnp.where(row >= m, ciota, C2))
        flat = r * C2 + c
        sel_ref[pl.ds(i, 1), :] = jnp.full((1, 1), flat, jnp.int32)
        hot = ciota == c
        cen_ref[pl.ds(i, 1), :] = jnp.concatenate(
            [jnp.sum(jnp.where(hot, c4_ref[k, pl.ds(r, 1), :], 0.0),
                     axis=1, keepdims=True) for k in range(4)], axis=1)
        nrow = jnp.where(hot, NEG, row)
        a_ref[pl.ds(r, 1), :] = nrow
        rm_ref[pl.ds(r, 1), :] = jnp.max(nrow, axis=1, keepdims=True)
        return 0

    lax.fori_loop(0, MT, step, 0)


def _run_k2(pert_rc, c4_rc):
    return pl.pallas_call(
        _k2_body,
        in_specs=[
            pl.BlockSpec((R2, C2), lambda: (0, 0)),
            pl.BlockSpec((4, R2, C2), lambda: (0, 0, 0)),
        ],
        out_specs=[
            pl.BlockSpec((MT, 1), lambda: (0, 0)),
            pl.BlockSpec((MT, 4), lambda: (0, 0)),
        ],
        out_shape=[
            jax.ShapeDtypeStruct((MT, 1), jnp.int32),
            jax.ShapeDtypeStruct((MT, 4), jnp.float32),
        ],
        scratch_shapes=[
            pltpu.VMEM((R2, C2), jnp.float32),
            pltpu.VMEM((R2, 1), jnp.float32),
        ],
    )(pert_rc, c4_rc)


def _k3_body(cen_ref, c4t_ref, bn_ref, knn_ref, bd_ref, bi_ref, d2_ref,
             flag_ref):
    i = pl.program_id(0)

    @pl.when(i == 0)
    def _init():
        bd_ref[:, :] = jnp.full((MT, KNN), FBIG, jnp.float32)
        bi_ref[:, :] = jnp.zeros((MT, KNN), jnp.int32)

    cen = cen_ref[:, :]
    cn = jnp.sum(cen * cen, axis=1, keepdims=True)
    prod = jax.lax.dot_general(cen, c4t_ref[:, :],
                               (((1,), (0,)), ((), ())),
                               preferred_element_type=jnp.float32)
    d2 = jnp.maximum(cn + bn_ref[:, :] - 2.0 * prod, 0.0)
    d2_ref[:, :] = d2
    base = i * BN
    flag_ref[0] = 1
    ciota = lax.broadcasted_iota(jnp.int32, (MT, BN), 1)
    kiota = lax.broadcasted_iota(jnp.int32, (MT, KNN), 1)

    def step(_, __):
        @pl.when(flag_ref[0] > 0)
        def _active():
            bd = bd_ref[:, :]
            t = jnp.max(bd, axis=1, keepdims=True)
            dv = d2_ref[:, :]
            m = jnp.min(dv, axis=1, keepdims=True)
            need = m < t
            c = jnp.min(jnp.where(dv <= m, ciota, BN), axis=1, keepdims=True)
            d2_ref[:, :] = jnp.where((ciota == c) & need, FBIG, dv)
            pos = jnp.min(jnp.where(bd >= t, kiota, KNN), axis=1, keepdims=True)
            repl = (kiota == pos) & need
            bd_ref[:, :] = jnp.where(repl, m, bd)
            bi_ref[:, :] = jnp.where(repl, base + c, bi_ref[:, :])
            flag_ref[0] = jnp.sum(need.astype(jnp.int32))

        return 0

    lax.fori_loop(0, KNN, step, 0)

    @pl.when(i == NB - 1)
    def _fin():
        knn_ref[:, :] = bi_ref[:, :]


def _run_k3(centroids, coords4T_p, bn_row):
    return pl.pallas_call(
        _k3_body,
        grid=(NB,),
        in_specs=[
            pl.BlockSpec((MT, 4), lambda i: (0, 0)),
            pl.BlockSpec((4, BN), lambda i: (0, i)),
            pl.BlockSpec((1, BN), lambda i: (0, i)),
        ],
        out_specs=pl.BlockSpec((MT, KNN), lambda i: (0, 0)),
        out_shape=jax.ShapeDtypeStruct((MT, KNN), jnp.int32),
        scratch_shapes=[
            pltpu.VMEM((MT, KNN), jnp.float32),
            pltpu.VMEM((MT, KNN), jnp.int32),
            pltpu.VMEM((MT, BN), jnp.float32),
            pltpu.SMEM((1,), jnp.int32),
        ],
        compiler_params=pltpu.CompilerParams(
            dimension_semantics=("arbitrary",)),
    )(centroids, coords4T_p, bn_row)


def _sc_gather(table, idx):
    B = idx.shape[0]
    D = table.shape[1]
    info = plsc.get_sparse_core_info()
    nw = info.num_cores * info.num_subcores
    bpw = B // nw
    mesh = plsc.VectorSubcoreMesh(core_axis_name="c", subcore_axis_name="s")

    @functools.partial(
        pl.kernel, mesh=mesh,
        out_type=jax.ShapeDtypeStruct((B, D), jnp.float32),
        scratch_types=[
            pltpu.VMEM((bpw,), jnp.int32),
            pltpu.VMEM((bpw, D), jnp.float32),
            pltpu.SemaphoreType.DMA,
        ],
    )
    def k(table_hbm, idx_hbm, out_hbm, idx_v, rows_v, sem):
        wid = lax.axis_index("s") * info.num_cores + lax.axis_index("c")
        base = wid * bpw
        pltpu.sync_copy(idx_hbm.at[pl.ds(base, bpw)], idx_v)
        pltpu.async_copy(table_hbm.at[idx_v], rows_v, sem).wait()
        pltpu.sync_copy(rows_v, out_hbm.at[pl.ds(base, bpw)])

    return k(table, idx)


def _k5_body(g_ref, cen_ref, cent_ref, wn1_ref, bn1_ref, wn2_ref, bn2_ref,
             tok_ref, cout_ref):
    pooled = jnp.max(g_ref[:, :, :], axis=0)
    h = jnp.maximum(jnp.dot(pooled, wn1_ref[:, :],
                            preferred_element_type=jnp.float32)
                    + bn1_ref[:, :], 0.0)
    tok = jnp.dot(h, wn2_ref[:, :], preferred_element_type=jnp.float32) \
        + bn2_ref[:, :]
    tj = cen_ref[:, 3:4]
    ti = cent_ref[3:4, :]
    jio = lax.broadcasted_iota(jnp.int32, (MT, 1), 0)
    iio = lax.broadcasted_iota(jnp.int32, (1, MT), 1)
    cmp = (tj < ti) | ((tj == ti) & (jio < iio))
    rank = jnp.sum(cmp.astype(jnp.int32), axis=0, keepdims=True)
    rio = lax.broadcasted_iota(jnp.int32, (MT, MT), 0)
    perm = (rio == rank).astype(jnp.float32)
    tok_ref[:, :] = jnp.dot(perm, tok, preferred_element_type=jnp.float32)
    cout_ref[:, :] = jnp.dot(perm, cen_ref[:, :],
                             preferred_element_type=jnp.float32)


def _run_k5(gathered3, centroids, centroidsT, Wn1, bn1, Wn2, bn2):
    full2 = lambda shp: pl.BlockSpec(shp, lambda: tuple(0 for _ in shp))
    return pl.pallas_call(
        _k5_body,
        in_specs=[
            pl.BlockSpec((KNN, MT, TD128), lambda: (0, 0, 0)),
            full2((MT, 4)), full2((4, MT)),
            full2((TD128, TDIM)), full2((1, TDIM)),
            full2((TDIM, TDIM)), full2((1, TDIM)),
        ],
        out_specs=[full2((MT, TDIM)), full2((MT, 4))],
        out_shape=[
            jax.ShapeDtypeStruct((MT, TDIM), jnp.float32),
            jax.ShapeDtypeStruct((MT, 4), jnp.float32),
        ],
    )(gathered3, centroids, centroidsT, Wn1, bn1, Wn2, bn2)


def kernel(coordinates, features, W1, b1, W2, b2, Wi1, bi1, ln_g, ln_b,
           Wi2, bi2, Wi3, bi3, Wn1, bn1, Wn2, bn2, temp):
    n = coordinates.shape[0]
    coords4 = coordinates[:, 1:5]
    u = jax.random.uniform(jax.random.key(42), (n,), dtype=jnp.float32)
    gnoise = -jnp.log(-jnp.log(u + 1e-10) + 1e-10)
    temperature = jax.nn.softplus(temp) + 0.1

    pad = NP - n
    features_p = jnp.pad(features, ((0, pad), (0, 0)))
    coords4_p = jnp.pad(coords4, ((0, pad), (0, 0)), constant_values=1e3)
    gnoise_p = jnp.pad(gnoise, (0, pad), constant_values=-1e30)

    W2p = jnp.pad(W2, ((0, 0), (0, TD128 - TDIM)))
    b2p = jnp.pad(b2, (0, TD128 - TDIM))
    Wi1fp = jnp.pad(Wi1[:TDIM], ((0, TD128 - TDIM), (0, 0)))

    feats_p, pert, bn_col = _run_k1(
        features_p, coords4_p, gnoise_p[:, None],
        W1, b1[None, :], W2p, b2p[None, :],
        Wi1fp, Wi1[TDIM:], bi1[None, :], ln_g[None, :], ln_b[None, :],
        Wi2, bi2[None, :], Wi3.T, bi3[None, :],
        jnp.reshape(temperature, (1, 1)))

    coords4T_p = coords4_p.T
    sel, centroids = _run_k2(jnp.reshape(pert, (R2, C2)),
                             jnp.reshape(coords4T_p, (4, R2, C2)))

    knn = _run_k3(centroids, coords4T_p, jnp.reshape(bn_col, (1, NP)))

    idx_jmajor = jnp.reshape(knn.T, (MT * KNN,))
    gathered = _sc_gather(feats_p, idx_jmajor)
    gathered3 = jnp.reshape(gathered, (KNN, MT, TD128))

    Wn1p = jnp.pad(Wn1, ((0, TD128 - TDIM), (0, 0)))
    tokens_s, cen_s = _run_k5(gathered3, centroids, centroids.T,
                              Wn1p, bn1[None, :], Wn2, bn2[None, :])

    masks = jnp.ones((1, MT), dtype=bool)
    return tokens_s[None], cen_s[None], masks

# --- scband reference (transcript-rebuilt; emitter-appended) ---
"""Pipeline reference for scband-gumbel-softmax-tokenizer-50165218017900 (READ-ONLY COPY).

The authoritative reference and input builder live on the scoring server;
editing this copy changes nothing except your own understanding.
"""

import jax, jax.numpy as jnp
import numpy as np

N = 200000
FEATURE_DIM = 64
TOKEN_DIM = 64
MAX_TOKENS = 256
K_NEIGHBORS = 16
HID = 64

def _layernorm(x, g, b, eps=1e-5):
    mu = jnp.mean(x, axis=-1, keepdims=True)
    var = jnp.mean((x - mu) ** 2, axis=-1, keepdims=True)
    return (x - mu) / jnp.sqrt(var + eps) * g + b

def setup_inputs(seed: int = 0):
    key = jax.random.key(seed)
    ks = jax.random.split(key, 16)
    s = 0.05
    coordinates = jax.random.uniform(ks[0], (N, 5), dtype=jnp.float32)  # col 0 in [0,1) -> batch idx 0 for all points
    features = jax.random.normal(ks[1], (N, FEATURE_DIM), dtype=jnp.float32)
    W1 = jax.random.normal(ks[2], (FEATURE_DIM, 64), dtype=jnp.float32) * s
    b1 = jnp.zeros((64,), jnp.float32)
    W2 = jax.random.normal(ks[3], (64, TOKEN_DIM), dtype=jnp.float32) * s
    b2 = jnp.zeros((TOKEN_DIM,), jnp.float32)
    Wi1 = jax.random.normal(ks[4], (TOKEN_DIM + 4, HID), dtype=jnp.float32) * s
    bi1 = jnp.zeros((HID,), jnp.float32)
    ln_g = jnp.ones((HID,), jnp.float32)
    ln_b = jnp.zeros((HID,), jnp.float32)
    Wi2 = jax.random.normal(ks[5], (HID, HID), dtype=jnp.float32) * s
    bi2 = jnp.zeros((HID,), jnp.float32)
    Wi3 = jax.random.normal(ks[6], (HID, 1), dtype=jnp.float32) * s
    bi3 = jnp.zeros((1,), jnp.float32)
    Wn1 = jax.random.normal(ks[7], (TOKEN_DIM, TOKEN_DIM), dtype=jnp.float32) * s
    bn1 = jnp.zeros((TOKEN_DIM,), jnp.float32)
    Wn2 = jax.random.normal(ks[8], (TOKEN_DIM, TOKEN_DIM), dtype=jnp.float32) * s
    bn2 = jnp.zeros((TOKEN_DIM,), jnp.float32)
    temp = jnp.array(1.0, jnp.float32)
    return {"coordinates": coordinates, "features": features, "W1": W1, "b1": b1, "W2": W2, "b2": b2,
            "Wi1": Wi1, "bi1": bi1, "ln_g": ln_g, "ln_b": ln_b, "Wi2": Wi2, "bi2": bi2, "Wi3": Wi3, "bi3": bi3,
            "Wn1": Wn1, "bn1": bn1, "Wn2": Wn2, "bn2": bn2, "temp": temp}

def reference(coordinates, features, W1, b1, W2, b2, Wi1, bi1, ln_g, ln_b, Wi2, bi2, Wi3, bi3, Wn1, bn1, Wn2, bn2, temp):
    # batch_indices = coordinates[:,0].long() == 0 for all rows by construction -> batch_size = 1
    xyz = coordinates[:, 1:4]
    t = coordinates[:, 4:5]
    # point MLP: Linear(feature_dim,64)+ReLU, Linear(64,token_dim)
    h = jax.nn.relu(features @ W1 + b1)
    feats = h @ W2 + b2  # [N, TOKEN_DIM]
    coords4 = jnp.concatenate([xyz, t], axis=-1)  # [N, 4]
    # importance encoder
    comb = jnp.concatenate([feats, coords4], axis=-1)
    hi = jax.nn.relu(comb @ Wi1 + bi1)
    hi = _layernorm(hi, ln_g, ln_b)
    hi = jax.nn.relu(hi @ Wi2 + bi2)
    imp = (hi @ Wi3 + bi3)[:, 0]  # [N]
    # select_and_aggregate (N > MAX_TOKENS so selection path is taken)
    temperature = jax.nn.softplus(temp) + 0.1
    u = jax.random.uniform(jax.random.key(42), imp.shape, dtype=jnp.float32)
    gnoise = -jnp.log(-jnp.log(u + 1e-10) + 1e-10)
    pert = (imp + gnoise) / temperature
    _weights = jax.nn.softmax(pert)  # computed in original module, unused downstream
    _, sel = jax.lax.top_k(pert, MAX_TOKENS)
    centroids = coords4[sel]  # gather [MAX_TOKENS, 4]
    # cdist(centroids, points)
    d2 = (jnp.sum(centroids ** 2, axis=1, keepdims=True)
          + jnp.sum(coords4 ** 2, axis=1)[None, :]
          - 2.0 * (centroids @ coords4.T))
    dist = jnp.sqrt(jnp.maximum(d2, 0.0))  # [MAX_TOKENS, N]
    _, knn = jax.lax.top_k(-dist, K_NEIGHBORS)  # k smallest distances
    neigh = feats[knn]  # gather [MAX_TOKENS, K, TOKEN_DIM]
    pooled = jnp.max(neigh, axis=1)
    tokens = jax.nn.relu(pooled @ Wn1 + bn1) @ Wn2 + bn2
    # sort selected tokens by time coordinate
    order = jnp.argsort(centroids[:, 3])
    centroids = centroids[order]
    tokens = tokens[order]
    masks = jnp.ones((1, MAX_TOKENS), dtype=bool)  # num_valid_tokens == max_tokens, no padding
    return tokens[None], centroids[None], masks

if __name__ == "__main__":
    import jax
    _d = setup_inputs()
    print(jax.jit(kernel)(*tuple(_d.values())))

</pallas_src>

<mosaic_0001>
#map = affine_map<(d0, d1) -> (0, 0)>
#map1 = affine_map<(d0, d1) -> (0)>
module attributes {stable_mosaic.version = 14 : i64} {
  func.func @k(%arg0: i32, %arg1: i32, %arg2: memref<204800x128xf32, #tpu.memory_space<hbm>>, %arg3: memref<4096xi32, #tpu.memory_space<hbm>>, %arg4: memref<4096x128xf32, #tpu.memory_space<hbm>>, %arg5: memref<128xi32, #tpu.memory_space<vmem>>, %arg6: memref<128x128xf32, #tpu.memory_space<vmem>>, %arg7: memref<!tpu.dma_semaphore, #tpu.memory_space<semaphore_mem>>) attributes {dimension_semantics = [#tpu.dimension_semantics<core_parallel>, #tpu.dimension_semantics<subcore_parallel>], iteration_bounds = array<i64: 2, 16>, scalar_prefetch = 0 : i64, scratch_operands = 3 : i64, tpu.core_type = #tpu.core_type<sc_vector_subcore>, window_params = [{transform_indices = #map}, {transform_indices = #map1}, {transform_indices = #map}]} {
    %mul3A = arith.constant 2 : i32
    %mul3A_0 = arith.muli %arg1, %mul3A : i32
    %add3A = arith.addi %mul3A_0, %arg0 : i32
    %mul3A_1 = arith.constant 128 : i32
    %mul3A_2 = arith.muli %add3A, %mul3A_1 : i32
    "tpu.region"() ({
      %run_scoped3A = tpu.sem_alloc : memref<!tpu.dma_semaphore, #tpu.memory_space<semaphore_mem>>
      %dma_start3A_7 = tpu.memref_slice %arg3[%mul3A_2] : memref<4096xi32, #tpu.memory_space<hbm>> -> memref<128xi32, #tpu.memory_space<hbm>>
      %dma_start3A_8 = tpu.memref_slice %arg3[%mul3A_2] : memref<4096xi32, #tpu.memory_space<hbm>> -> memref<128xi32, #tpu.memory_space<hbm>>
      tpu.enqueue_dma source(%dma_start3A_8 : memref<128xi32, #tpu.memory_space<hbm>>) target(%arg5 : memref<128xi32, #tpu.memory_space<vmem>>) target_semaphore(%run_scoped3A : memref<!tpu.dma_semaphore, #tpu.memory_space<semaphore_mem>>)
      %dma_wait3A_9 = tpu.memref_slice %arg3[%mul3A_2] : memref<4096xi32, #tpu.memory_space<hbm>> -> memref<128xi32, #tpu.memory_space<hbm>>
      %dma_wait3A_10 = tpu.memref_slice %arg3[%mul3A_2] : memref<4096xi32, #tpu.memory_space<hbm>> -> memref<128xi32, #tpu.memory_space<hbm>>
      tpu.wait_dma2 semaphore(%run_scoped3A : memref<!tpu.dma_semaphore, #tpu.memory_space<semaphore_mem>>) src(%dma_wait3A_10 : memref<128xi32, #tpu.memory_space<hbm>>) dst(%arg5 : memref<128xi32, #tpu.memory_space<vmem>>)
      tpu.yield
    }) : () -> ()
    %dma_start3A = arith.constant 0 : i32
    %dma_start3A_3 = arith.constant 0 : i32
    %dma_start3A_4 = tpu.memref_slice %arg2[%dma_start3A, %dma_start3A_3] : memref<204800x128xf32, #tpu.memory_space<hbm>> -> memref<204800x128xf32, #tpu.memory_space<hbm>>
    tpu.enqueue_indirect_dma source(%dma_start3A_4 : memref<204800x128xf32, #tpu.memory_space<hbm>>) target(%arg6 : memref<128x128xf32, #tpu.memory_space<vmem>>) offsets(%arg5 : memref<128xi32, #tpu.memory_space<vmem>>) semaphore(%arg7 : memref<!tpu.dma_semaphore, #tpu.memory_space<semaphore_mem>>)
    %dma_wait3A = arith.constant 0 : i32
    %dma_wait3A_5 = arith.constant 0 : i32
    %dma_wait3A_6 = tpu.memref_slice %arg2[%dma_wait3A, %dma_wait3A_5] : memref<204800x128xf32, #tpu.memory_space<hbm>> -> memref<204800x128xf32, #tpu.memory_space<hbm>>
    tpu.wait_indirect_dma semaphore(%arg7 : memref<!tpu.dma_semaphore, #tpu.memory_space<semaphore_mem>>) src(%dma_wait3A_6 : memref<204800x128xf32, #tpu.memory_space<hbm>>) dst(%arg6 : memref<128x128xf32, #tpu.memory_space<vmem>>)
    "tpu.region"() ({
      %run_scoped3A = tpu.sem_alloc : memref<!tpu.dma_semaphore, #tpu.memory_space<semaphore_mem>>
      %dma_start3A_7 = arith.constant 0 : i32
      %dma_start3A_8 = tpu.memref_slice %arg4[%mul3A_2, %dma_start3A_7] : memref<4096x128xf32, #tpu.memory_space<hbm>> -> memref<128x128xf32, #tpu.memory_space<hbm>>
      %dma_start3A_9 = arith.constant 0 : i32
      %dma_start3A_10 = tpu.memref_slice %arg4[%mul3A_2, %dma_start3A_9] : memref<4096x128xf32, #tpu.memory_space<hbm>> -> memref<128x128xf32, #tpu.memory_space<hbm>>
      tpu.enqueue_dma source(%arg6 : memref<128x128xf32, #tpu.memory_space<vmem>>) target(%dma_start3A_10 : memref<128x128xf32, #tpu.memory_space<hbm>>) target_semaphore(%run_scoped3A : memref<!tpu.dma_semaphore, #tpu.memory_space<semaphore_mem>>)
      %dma_wait3A_11 = arith.constant 0 : i32
      %dma_wait3A_12 = tpu.memref_slice %arg4[%mul3A_2, %dma_wait3A_11] : memref<4096x128xf32, #tpu.memory_space<hbm>> -> memref<128x128xf32, #tpu.memory_space<hbm>>
      %dma_wait3A_13 = arith.constant 0 : i32
      %dma_wait3A_14 = tpu.memref_slice %arg4[%mul3A_2, %dma_wait3A_13] : memref<4096x128xf32, #tpu.memory_space<hbm>> -> memref<128x128xf32, #tpu.memory_space<hbm>>
      tpu.wait_dma2 semaphore(%run_scoped3A : memref<!tpu.dma_semaphore, #tpu.memory_space<semaphore_mem>>) src(%arg6 : memref<128x128xf32, #tpu.memory_space<vmem>>) dst(%dma_wait3A_14 : memref<128x128xf32, #tpu.memory_space<hbm>>)
      tpu.yield
    }) : () -> ()
    return
  }
}

module attributes {stable_mosaic.version = 14 : i64} {
  func.func @_k1_body(%arg0: i32, %arg1: memref<2048x64xf32, #tpu.memory_space<vmem>>, %arg2: memref<2048x4xf32, #tpu.memory_space<vmem>>, %arg3: memref<2048x1xf32, #tpu.memory_space<vmem>>, %arg4: memref<64x64xf32, #tpu.memory_space<vmem>>, %arg5: memref<1x64xf32, #tpu.memory_space<vmem>>, %arg6: memref<64x128xf32, #tpu.memory_space<vmem>>, %arg7: memref<1x128xf32, #tpu.memory_space<vmem>>, %arg8: memref<128x64xf32, #tpu.memory_space<vmem>>, %arg9: memref<4x64xf32, #tpu.memory_space<vmem>>, %arg10: memref<1x64xf32, #tpu.memory_space<vmem>>, %arg11: memref<1x64xf32, #tpu.memory_space<vmem>>, %arg12: memref<1x64xf32, #tpu.memory_space<vmem>>, %arg13: memref<64x64xf32, #tpu.memory_space<vmem>>, %arg14: memref<1x64xf32, #tpu.memory_space<vmem>>, %arg15: memref<1x64xf32, #tpu.memory_space<vmem>>, %arg16: memref<1x1xf32, #tpu.memory_space<vmem>>, %arg17: memref<1x1xf32, #tpu.memory_space<vmem>>, %arg18: memref<2048x128xf32, #tpu.memory_space<vmem>>, %arg19: memref<2048x1xf32, #tpu.memory_space<vmem>>, %arg20: memref<2048x1xf32, #tpu.memory_space<vmem>>) attributes {dimension_semantics = [#tpu.dimension_semantics<arbitrary>], iteration_bounds = array<i64: 100>, scalar_prefetch = 0 : i64, scratch_operands = 0 : i64, tpu.core_type = #tpu.core_type<tc>, window_params = [{transform_indices = @transform_0, window_bounds = array<i64: 2048, 64>}, {transform_indices = @transform_1, window_bounds = array<i64: 2048, 4>}, {transform_indices = @transform_2, window_bounds = array<i64: 2048, 1>}, {pipeline_mode = #tpu.pipeline_mode<synchronous>, transform_indices = @transform_3, window_bounds = array<i64: 64, 64>}, {pipeline_mode = #tpu.pipeline_mode<synchronous>, transform_indices = @transform_4, window_bounds = array<i64: 1, 64>}, {pipeline_mode = #tpu.pipeline_mode<synchronous>, transform_indices = @transform_5, window_bounds = array<i64: 64, 128>}, {pipeline_mode = #tpu.pipeline_mode<synchronous>, transform_indices = @transform_6, window_bounds = array<i64: 1, 128>}, {pipeline_mode = #tpu.pipeline_mode<synchronous>, transform_indices = @transform_7, window_bounds = array<i64: 128, 64>}, {pipeline_mode = #tpu.pipeline_mode<synchronous>, transform_indices = @transform_8, window_bounds = array<i64: 4, 64>}, {pipeline_mode = #tpu.pipeline_mode<synchronous>, transform_indices = @transform_9, window_bounds = array<i64: 1, 64>}, {pipeline_mode = #tpu.pipeline_mode<synchronous>, transform_indices = @transform_10, window_bounds = array<i64: 1, 64>}, {pipeline_mode = #tpu.pipeline_mode<synchronous>, transform_indices = @transform_11, window_bounds = array<i64: 1, 64>}, {pipeline_mode = #tpu.pipeline_mode<synchronous>, transform_indices = @transform_12, window_bounds = array<i64: 64, 64>}, {pipeline_mode = #tpu.pipeline_mode<synchronous>, transform_indices = @transform_13, window_bounds = array<i64: 1, 64>}, {pipeline_mode = #tpu.pipeline_mode<synchronous>, transform_indices = @transform_14, window_bounds = array<i64: 1, 64>}, {pipeline_mode = #tpu.pipeline_mode<synchronous>, transform_indices = @transform_15, window_bounds = array<i64: 1, 1>}, {pipeline_mode = #tpu.pipeline_mode<synchronous>, transform_indices = @transform_16, window_bounds = array<i64: 1, 1>}, {transform_indices = @transform_17, window_bounds = array<i64: 2048, 128>}, {transform_indices = @transform_18, window_bounds = array<i64: 2048, 1>}, {transform_indices = @transform_19, window_bounds = array<i64: 2048, 1>}]} {
    %get3A = arith.constant 0 : index
    %get3A_0 = arith.constant 0 : index
    %get3A_1 = vector.load %arg1[%get3A, %get3A_0] : memref<2048x64xf32, #tpu.memory_space<vmem>>, vector<2048x64xf32>
    %get3A_2 = arith.constant 0 : index
    %get3A_3 = arith.constant 0 : index
    %get3A_4 = vector.load %arg2[%get3A_2, %get3A_3] : memref<2048x4xf32, #tpu.memory_space<vmem>>, vector<2048x4xf32>
    %get3A_5 = arith.constant 0 : index
    %get3A_6 = arith.constant 0 : index
    %get3A_7 = vector.load %arg4[%get3A_5, %get3A_6] : memref<64x64xf32, #tpu.memory_space<vmem>>, vector<64x64xf32>
    %dot_general3A = arith.constant dense<0.000000e+00> : vector<2048x64xf32>
    %dot_general3A_8 = tpu.matmul %get3A_1, %get3A_7, %dot_general3A {dimension_numbers = #tpu.dot_dimension_numbers<[1], [0], [0], [1], [0, 0, 1, 1], [], []>, transpose_lhs_hint = false} : vector<2048x64xf32>, vector<64x64xf32>, vector<2048x64xf32> -> vector<2048x64xf32>
    %get3A_9 = arith.constant 0 : index
    %get3A_10 = arith.constant 0 : index
    %get3A_11 = vector.load %arg5[%get3A_9, %get3A_10] : memref<1x64xf32, #tpu.memory_space<vmem>>, vector<1x64xf32>
    %add3A = vector.broadcast %get3A_11 : vector<1x64xf32> to vector<2048x64xf32>
    %add3A_12 = arith.addf %dot_general3A_8, %add3A : vector<2048x64xf32>
    %max3A = arith.constant 0.000000e+00 : f32
    %max3A_13 = vector.broadcast %max3A : f32 to vector<2048x64xf32>
    %max3A_14 = arith.maximumf %add3A_12, %max3A_13 : vector<2048x64xf32>
    %get3A_15 = arith.constant 0 : index
    %get3A_16 = arith.constant 0 : index
    %get3A_17 = vector.load %arg6[%get3A_15, %get3A_16] : memref<64x128xf32, #tpu.memory_space<vmem>>, vector<64x128xf32>
    %dot_general3A_18 = arith.constant dense<0.000000e+00> : vector<2048x128xf32>
    %dot_general3A_19 = tpu.matmul %max3A_14, %get3A_17, %dot_general3A_18 {dimension_numbers = #tpu.dot_dimension_numbers<[1], [0], [0], [1], [0, 0, 1, 1], [], []>, transpose_lhs_hint = false} : vector<2048x64xf32>, vector<64x128xf32>, vector<2048x128xf32> -> vector<2048x128xf32>
    %get3A_20 = arith.constant 0 : index
    %get3A_21 = arith.constant 0 : index
    %get3A_22 = vector.load %arg7[%get3A_20, %get3A_21] : memref<1x128xf32, #tpu.memory_space<vmem>>, vector<1x128xf32>
    %add3A_23 = vector.broadcast %get3A_22 : vector<1x128xf32> to vector<2048x128xf32>
    %add3A_24 = arith.addf %dot_general3A_19, %add3A_23 : vector<2048x128xf32>
    %swap3A = arith.constant 0 : index
    %swap3A_25 = arith.constant 0 : index
    %swap3A_26 = vector.load %arg18[%swap3A, %swap3A_25] : memref<2048x128xf32, #tpu.memory_space<vmem>>, vector<2048x128xf32>
    tpu.vector_store %arg18[%swap3A, %swap3A_25], %add3A_24 {strides = array<i32>} : memref<2048x128xf32, #tpu.memory_space<vmem>>, vector<2048x128xf32>,
    %get3A_27 = arith.constant 0 : index
    %get3A_28 = arith.constant 0 : index
    %get3A_29 = vector.load %arg8[%get3A_27, %get3A_28] : memref<128x64xf32, #tpu.memory_space<vmem>>, vector<128x64xf32>
    %dot_general3A_30 = arith.constant dense<0.000000e+00> : vector<2048x64xf32>
    %dot_general3A_31 = tpu.matmul %add3A_24, %get3A_29, %dot_general3A_30 {dimension_numbers = #tpu.dot_dimension_numbers<[1], [0], [0], [1], [0, 0, 1, 1], [], []>, transpose_lhs_hint = false} : vector<2048x128xf32>, vector<128x64xf32>, vector<2048x64xf32> -> vector<2048x64xf32>
    %get3A_32 = arith.constant 0 : index
    %get3A_33 = arith.constant 0 : index
    %get3A_34 = vector.load %arg9[%get3A_32, %get3A_33] : memref<4x64xf32, #tpu.memory_space<vmem>>, vector<4x64xf32>
    %dot_general3A_35 = arith.constant dense<0.000000e+00> : vector<2048x64xf32>
    %dot_general3A_36 = tpu.matmul %get3A_4, %get3A_34, %dot_general3A_35 {dimension_numbers = #tpu.dot_dimension_numbers<[1], [0], [0], [1], [0, 0, 1, 1], [], []>, transpose_lhs_hint = false} : vector<2048x4xf32>, vector<4x64xf32>, vector<2048x64xf32> -> vector<2048x64xf32>
    %add3A_37 = arith.addf %dot_general3A_31, %dot_general3A_36 : vector<2048x64xf32>
    %get3A_38 = arith.constant 0 : index
    %get3A_39 = arith.constant 0 : index
    %get3A_40 = vector.load %arg10[%get3A_38, %get3A_39] : memref<1x64xf32, #tpu.memory_space<vmem>>, vector<1x64xf32>
    %add3A_41 = vector.broadcast %get3A_40 : vector<1x64xf32> to vector<2048x64xf32>
    %add3A_42 = arith.addf %add3A_37, %add3A_41 : vector<2048x64xf32>
    %max3A_43 = arith.constant 0.000000e+00 : f32
    %max3A_44 = vector.broadcast %max3A_43 : f32 to vector<2048x64xf32>
    %max3A_45 = arith.maximumf %add3A_42, %max3A_44 : vector<2048x64xf32>
    %reduce_sum3A = arith.constant dense<0.000000e+00> : vector<2048xf32>
    %reduce_sum3A_46 = vector.multi_reduction <add>, %max3A_45, %reduce_sum3A [1] : vector<2048x64xf32> to vector<2048xf32>
    %broadcast_in_dim3A = vector.shape_cast %reduce_sum3A_46 : vector<2048xf32> to vector<2048x1xf32>
    %div3A = arith.constant 6.400000e+01 : f32
    %div3A_47 = vector.broadcast %div3A : f32 to vector<2048x1xf32>
    %div3A_48 = arith.divf %broadcast_in_dim3A, %div3A_47 : vector<2048x1xf32>
    %sub3A = vector.broadcast %div3A_48 : vector<2048x1xf32> to vector<2048x64xf32>
    %sub3A_49 = arith.subf %max3A_45, %sub3A : vector<2048x64xf32>
    %mul3A = arith.mulf %sub3A_49, %sub3A_49 : vector<2048x64xf32>
    %reduce_sum3A_50 = arith.constant dense<0.000000e+00> : vector<2048xf32>
    %reduce_sum3A_51 = vector.multi_reduction <add>, %mul3A, %reduce_sum3A_50 [1] : vector<2048x64xf32> to vector<2048xf32>
    %broadcast_in_dim3A_52 = vector.shape_cast %reduce_sum3A_51 : vector<2048xf32> to vector<2048x1xf32>
    %div3A_53 = arith.constant 6.400000e+01 : f32
    %div3A_54 = vector.broadcast %div3A_53 : f32 to vector<2048x1xf32>
    %div3A_55 = arith.divf %broadcast_in_dim3A_52, %div3A_54 : vector<2048x1xf32>
    %add3A_56 = arith.constant 9.99999974E-6 : f32
    %add3A_57 = vector.broadcast %add3A_56 : f32 to vector<2048x1xf32>
    %add3A_58 = arith.addf %div3A_55, %add3A_57 : vector<2048x1xf32>
    %rsqrt3A = math.rsqrt %add3A_58 : vector<2048x1xf32>
    %mul3A_59 = vector.broadcast %rsqrt3A : vector<2048x1xf32> to vector<2048x64xf32>
    %mul3A_60 = arith.mulf %sub3A_49, %mul3A_59 : vector<2048x64xf32>
    %get3A_61 = arith.constant 0 : index
    %get3A_62 = arith.constant 0 : index
    %get3A_63 = vector.load %arg11[%get3A_61, %get3A_62] : memref<1x64xf32, #tpu.memory_space<vmem>>, vector<1x64xf32>
    %mul3A_64 = vector.broadcast %get3A_63 : vector<1x64xf32> to vector<2048x64xf32>
    %mul3A_65 = arith.mulf %mul3A_60, %mul3A_64 : vector<2048x64xf32>
    %get3A_66 = arith.constant 0 : index
    %get3A_67 = arith.constant 0 : index
    %get3A_68 = vector.load %arg12[%get3A_66, %get3A_67] : memref<1x64xf32, #tpu.memory_space<vmem>>, vector<1x64xf32>
    %add3A_69 = vector.broadcast %get3A_68 : vector<1x64xf32> to vector<2048x64xf32>
    %add3A_70 = arith.addf %mul3A_65, %add3A_69 : vector<2048x64xf32>
    %get3A_71 = arith.constant 0 : index
    %get3A_72 = arith.constant 0 : index
    %get3A_73 = vector.load %arg13[%get3A_71, %get3A_72] : memref<64x64xf32, #tpu.memory_space<vmem>>, vector<64x64xf32>
    %dot_general3A_74 = arith.constant dense<0.000000e+00> : vector<2048x64xf32>
    %dot_general3A_75 = tpu.matmul %add3A_70, %get3A_73, %dot_general3A_74 {dimension_numbers = #tpu.dot_dimension_numbers<[1], [0], [0], [1], [0, 0, 1, 1], [], []>, transpose_lhs_hint = false} : vector<2048x64xf32>, vector<64x64xf32>, vector<2048x64xf32> -> vector<2048x64xf32>
    %get3A_76 = arith.constant 0 : index
    %get3A_77 = arith.constant 0 : index
    %get3A_78 = vector.load %arg14[%get3A_76, %get3A_77] : memref<1x64xf32, #tpu.memory_space<vmem>>, vector<1x64xf32>
    %add3A_79 = vector.broadcast %get3A_78 : vector<1x64xf32> to vector<2048x64xf32>
    %add3A_80 = arith.addf %dot_general3A_75, %add3A_79 : vector<2048x64xf32>
    %max3A_81 = arith.constant 0.000000e+00 : f32
    %max3A_82 = vector.broadcast %max3A_81 : f32 to vector<2048x64xf32>
    %max3A_83 = arith.maximumf %add3A_80, %max3A_82 : vector<2048x64xf32>
    %get3A_84 = arith.constant 0 : index
    %get3A_85 = arith.constant 0 : index
    %get3A_86 = vector.load %arg15[%get3A_84, %get3A_85] : memref<1x64xf32, #tpu.memory_space<vmem>>, vector<1x64xf32>
    %mul3A_87 = vector.broadcast %get3A_86 : vector<1x64xf32> to vector<2048x64xf32>
    %mul3A_88 = arith.mulf %max3A_83, %mul3A_87 : vector<2048x64xf32>
    %reduce_sum3A_89 = arith.constant dense<0.000000e+00> : vector<2048xf32>
    %reduce_sum3A_90 = vector.multi_reduction <add>, %mul3A_88, %reduce_sum3A_89 [1] : vector<2048x64xf32> to vector<2048xf32>
    %broadcast_in_dim3A_91 = vector.shape_cast %reduce_sum3A_90 : vector<2048xf32> to vector<2048x1xf32>
    %get3A_92 = arith.constant 0 : index
    %get3A_93 = arith.constant 0 : index
    %get3A_94 = vector.load %arg16[%get3A_92, %get3A_93] : memref<1x1xf32, #tpu.memory_space<vmem>>, vector<1x1xf32>
    %add3A_95 = vector.broadcast %get3A_94 : vector<1x1xf32> to vector<2048x1xf32>
    %add3A_96 = arith.addf %broadcast_in_dim3A_91, %add3A_95 : vector<2048x1xf32>
    %get3A_97 = arith.constant 0 : index
    %get3A_98 = arith.constant 0 : index
    %get3A_99 = vector.load %arg3[%get3A_97, %get3A_98] : memref<2048x1xf32, #tpu.memory_space<vmem>>, vector<2048x1xf32>
    %add3A_100 = arith.addf %add3A_96, %get3A_99 : vector<2048x1xf32>
    %get3A_101 = arith.constant 0 : index
    %get3A_102 = arith.constant 0 : index
    %get3A_103 = vector.load %arg17[%get3A_101, %get3A_102] : memref<1x1xf32, #tpu.memory_space<vmem>>, vector<1x1xf32>
    %div3A_104 = vector.broadcast %get3A_103 : vector<1x1xf32> to vector<2048x1xf32>
    %div3A_105 = arith.divf %add3A_100, %div3A_104 : vector<2048x1xf32>
    %swap3A_106 = arith.constant 0 : index
    %swap3A_107 = arith.constant 0 : index
    %swap3A_108 = vector.load %arg19[%swap3A_106, %swap3A_107] : memref<2048x1xf32, #tpu.memory_space<vmem>>, vector<2048x1xf32>
    tpu.vector_store %arg19[%swap3A_106, %swap3A_107], %div3A_105 {strides = array<i32>} : memref<2048x1xf32, #tpu.memory_space<vmem>>, vector<2048x1xf32>,
    %mul3A_109 = arith.mulf %get3A_4, %get3A_4 : vector<2048x4xf32>
    %reduce_sum3A_110 = arith.constant dense<0.000000e+00> : vector<2048xf32>
    %reduce_sum3A_111 = vector.multi_reduction <add>, %mul3A_109, %reduce_sum3A_110 [1] : vector<2048x4xf32> to vector<2048xf32>
    %broadcast_in_dim3A_112 = vector.shape_cast %reduce_sum3A_111 : vector<2048xf32> to vector<2048x1xf32>
    %swap3A_113 = arith.constant 0 : index
    %swap3A_114 = arith.constant 0 : index
    %swap3A_115 = vector.load %arg20[%swap3A_113, %swap3A_114] : memref<2048x1xf32, #tpu.memory_space<vmem>>, vector<2048x1xf32>
    tpu.vector_store %arg20[%swap3A_113, %swap3A_114], %broadcast_in_dim3A_112 {strides = array<i32>} : memref<2048x1xf32, #tpu.memory_space<vmem>>, vector<2048x1xf32>,
    return
  }
  func.func @transform_0(%arg0: i32) -> (i32, i32) {
    %c0_i32 = arith.constant 0 : i32
    %c0_i32_0 = arith.constant 0 : i32
    return %arg0, %c0_i32 : i32, i32
  }
  func.func @transform_1(%arg0: i32) -> (i32, i32) {
    %c0_i32 = arith.constant 0 : i32
    %c0_i32_0 = arith.constant 0 : i32
    return %arg0, %c0_i32 : i32, i32
  }
  func.func @transform_2(%arg0: i32) -> (i32, i32) {
    %c0_i32 = arith.constant 0 : i32
    %c0_i32_0 = arith.constant 0 : i32
    return %arg0, %c0_i32 : i32, i32
  }
  func.func @transform_3(%arg0: i32) -> (i32, i32) {
    %c0_i32 = arith.constant 0 : i32
    %c0_i32_0 = arith.constant 0 : i32
    %c0_i32_1 = arith.constant 0 : i32
    return %c0_i32, %c0_i32_0 : i32, i32
  }
  func.func @transform_4(%arg0: i32) -> (i32, i32) {
    %c0_i32 = arith.constant 0 : i32
    %c0_i32_0 = arith.constant 0 : i32
    %c0_i32_1 = arith.constant 0 : i32
    return %c0_i32, %c0_i32_0 : i32, i32
  }
  func.func @transform_5(%arg0: i32) -> (i32, i32) {
    %c0_i32 = arith.constant 0 : i32
    %c0_i32_0 = arith.constant 0 : i32
    %c0_i32_1 = arith.constant 0 : i32
    return %c0_i32, %c0_i32_0 : i32, i32
  }
  func.func @transform_6(%arg0: i32) -> (i32, i32) {
    %c0_i32 = arith.constant 0 : i32
    %c0_i32_0 = arith.constant 0 : i32
    %c0_i32_1 = arith.constant 0 : i32
    return %c0_i32, %c0_i32_0 : i32, i32
  }
  func.func @transform_7(%arg0: i32) -> (i32, i32) {
    %c0_i32 = arith.constant 0 : i32
    %c0_i32_0 = arith.constant 0 : i32
    %c0_i32_1 = arith.constant 0 : i32
    return %c0_i32, %c0_i32_0 : i32, i32
  }
  func.func @transform_8(%arg0: i32) -> (i32, i32) {
    %c0_i32 = arith.constant 0 : i32
    %c0_i32_0 = arith.constant 0 : i32
    %c0_i32_1 = arith.constant 0 : i32
    return %c0_i32, %c0_i32_0 : i32, i32
  }
  func.func @transform_9(%arg0: i32) -> (i32, i32) {
    %c0_i32 = arith.constant 0 : i32
    %c0_i32_0 = arith.constant 0 : i32
    %c0_i32_1 = arith.constant 0 : i32
    return %c0_i32, %c0_i32_0 : i32, i32
  }
  func.func @transform_10(%arg0: i32) -> (i32, i32) {
    %c0_i32 = arith.constant 0 : i32
    %c0_i32_0 = arith.constant 0 : i32
    %c0_i32_1 = arith.constant 0 : i32
    return %c0_i32, %c0_i32_0 : i32, i32
  }
  func.func @transform_11(%arg0: i32) -> (i32, i32) {
    %c0_i32 = arith.constant 0 : i32
    %c0_i32_0 = arith.constant 0 : i32
    %c0_i32_1 = arith.constant 0 : i32
    return %c0_i32, %c0_i32_0 : i32, i32
  }
  func.func @transform_12(%arg0: i32) -> (i32, i32) {
    %c0_i32 = arith.constant 0 : i32
    %c0_i32_0 = arith.constant 0 : i32
    %c0_i32_1 = arith.constant 0 : i32
    return %c0_i32, %c0_i32_0 : i32, i32
  }
  func.func @transform_13(%arg0: i32) -> (i32, i32) {
    %c0_i32 = arith.constant 0 : i32
    %c0_i32_0 = arith.constant 0 : i32
    %c0_i32_1 = arith.constant 0 : i32
    return %c0_i32, %c0_i32_0 : i32, i32
  }
  func.func @transform_14(%arg0: i32) -> (i32, i32) {
    %c0_i32 = arith.constant 0 : i32
    %c0_i32_0 = arith.constant 0 : i32
    %c0_i32_1 = arith.constant 0 : i32
    return %c0_i32, %c0_i32_0 : i32, i32
  }
  func.func @transform_15(%arg0: i32) -> (i32, i32) {
    %c0_i32 = arith.constant 0 : i32
    %c0_i32_0 = arith.constant 0 : i32
    %c0_i32_1 = arith.constant 0 : i32
    return %c0_i32, %c0_i32_0 : i32, i32
  }
  func.func @transform_16(%arg0: i32) -> (i32, i32) {
    %c0_i32 = arith.constant 0 : i32
    %c0_i32_0 = arith.constant 0 : i32
    %c0_i32_1 = arith.constant 0 : i32
    return %c0_i32, %c0_i32_0 : i32, i32
  }
  func.func @transform_17(%arg0: i32) -> (i32, i32) {
    %c0_i32 = arith.constant 0 : i32
    %c0_i32_0 = arith.constant 0 : i32
    return %arg0, %c0_i32 : i32, i32
  }
  func.func @transform_18(%arg0: i32) -> (i32, i32) {
    %c0_i32 = arith.constant 0 : i32
    %c0_i32_0 = arith.constant 0 : i32
    return %arg0, %c0_i32 : i32, i32
  }
  func.func @transform_19(%arg0: i32) -> (i32, i32) {
    %c0_i32 = arith.constant 0 : i32
    %c0_i32_0 = arith.constant 0 : i32
    return %arg0, %c0_i32 : i32, i32
  }
}

module attributes {stable_mosaic.version = 14 : i64} {
  func.func @_k2_body(%arg0: memref<400x512xf32, #tpu.memory_space<vmem>>, %arg1: memref<4x400x512xf32, #tpu.memory_space<vmem>>, %arg2: memref<256x1xi32, #tpu.memory_space<vmem>>, %arg3: memref<256x4xf32, #tpu.memory_space<vmem>>, %arg4: memref<400x512xf32, #tpu.memory_space<vmem>>, %arg5: memref<400x1xf32, #tpu.memory_space<vmem>>) attributes {dimension_semantics = [], scalar_prefetch = 0 : i64, scratch_operands = 2 : i64, tpu.core_type = #tpu.core_type<tc>} {
    %get3A = arith.constant 0 : index
    %get3A_0 = arith.constant 0 : index
    %get3A_1 = vector.load %arg0[%get3A, %get3A_0] : memref<400x512xf32, #tpu.memory_space<vmem>>, vector<400x512xf32>
    %swap3A = arith.constant 0 : index
    %swap3A_2 = arith.constant 0 : index
    %swap3A_3 = vector.load %arg4[%swap3A, %swap3A_2] : memref<400x512xf32, #tpu.memory_space<vmem>>, vector<400x512xf32>
    tpu.vector_store %arg4[%swap3A, %swap3A_2], %get3A_1 {strides = array<i32>} : memref<400x512xf32, #tpu.memory_space<vmem>>, vector<400x512xf32>,
    %get3A_4 = arith.constant 0 : index
    %get3A_5 = arith.constant 0 : index
    %get3A_6 = vector.load %arg0[%get3A_4, %get3A_5] : memref<400x512xf32, #tpu.memory_space<vmem>>, vector<400x512xf32>
    %reduce_max3A = arith.constant dense<0xFF800000> : vector<400xf32>
    %reduce_max3A_7 = vector.multi_reduction <maximumf>, %get3A_6, %reduce_max3A [1] : vector<400x512xf32> to vector<400xf32>
    %broadcast_in_dim3A = vector.shape_cast %reduce_max3A_7 : vector<400xf32> to vector<400x1xf32>
    %swap3A_8 = arith.constant 0 : index
    %swap3A_9 = arith.constant 0 : index
    %swap3A_10 = vector.load %arg5[%swap3A_8, %swap3A_9] : memref<400x1xf32, #tpu.memory_space<vmem>>, vector<400x1xf32>
    tpu.vector_store %arg5[%swap3A_8, %swap3A_9], %broadcast_in_dim3A {strides = array<i32>} : memref<400x1xf32, #tpu.memory_space<vmem>>, vector<400x1xf32>,
    %scan3A = arith.constant 0 : i32
    %scan3A_11 = arith.constant 256 : i32
    %scan3A_12 = arith.addi %scan3A, %scan3A_11 : i32
    %scan3A_13 = arith.constant 1 : i32
    scf.for %scan3A_15 = %scan3A to %scan3A_12 step %scan3A_13  : i32 {
      %get3A_16 = arith.constant 0 : index
      %get3A_17 = arith.constant 0 : index
      %get3A_18 = vector.load %arg5[%get3A_16, %get3A_17] : memref<400x1xf32, #tpu.memory_space<vmem>>, vector<400x1xf32>
      %reduce_max3A_19 = vector.shape_cast %get3A_18 : vector<400x1xf32> to vector<1x400x1xf32>
      %reduce_max3A_20 = arith.constant dense<0xFF800000> : vector<1xf32>
      %reduce_max3A_21 = vector.multi_reduction <maximumf>, %reduce_max3A_19, %reduce_max3A_20 [1, 2] : vector<1x400x1xf32> to vector<1xf32>
      %reduce_max3A_22 = vector.shape_cast %reduce_max3A_21 : vector<1xf32> to vector<1x1x1xf32>
      %reduce_max3A_23 = vector.extract %reduce_max3A_22[0, 0, 0] : f32 from vector<1x1x1xf32>
      %iota3A = tpu.iota {dimensions = array<i32: 0>} : vector<400x1xi32>
      %ge3A = vector.broadcast %reduce_max3A_23 : f32 to vector<400x1xf32>
      %ge3A_24 = arith.cmpf oge, %get3A_18, %ge3A : vector<400x1xf32>
      %jit3A = arith.constant 400 : i32
      %broadcast_in_dim3A_25 = vector.broadcast %jit3A : i32 to vector<400x1xi32>
      %select_n3A = arith.select %ge3A_24, %iota3A, %broadcast_in_dim3A_25 : vector<400x1xi1>, vector<400x1xi32>
      %reduce_min3A = vector.shape_cast %select_n3A : vector<400x1xi32> to vector<1x400x1xi32>
      %reduce_min3A_26 = arith.constant dense<2147483647> : vector<1xi32>
      %reduce_min3A_27 = vector.multi_reduction <minsi>, %reduce_min3A, %reduce_min3A_26 [1, 2] : vector<1x400x1xi32> to vector<1xi32>
      %reduce_min3A_28 = vector.shape_cast %reduce_min3A_27 : vector<1xi32> to vector<1x1x1xi32>
      %reduce_min3A_29 = vector.extract %reduce_min3A_28[0, 0, 0] : i32 from vector<1x1x1xi32>
      %get3A_30 = arith.index_cast %reduce_min3A_29 : i32 to index
      %get3A_31 = arith.constant 0 : index
      %get3A_32 = vector.load %arg4[%get3A_30, %get3A_31] : memref<400x512xf32, #tpu.memory_space<vmem>>, vector<1x512xf32>
      %iota3A_33 = tpu.iota {dimensions = array<i32: 1>} : vector<1x512xi32>
      %ge3A_34 = vector.broadcast %reduce_max3A_23 : f32 to vector<1x512xf32>
      %ge3A_35 = arith.cmpf oge, %get3A_32, %ge3A_34 : vector<1x512xf32>
      %jit3A_36 = arith.constant 512 : i32
      %broadcast_in_dim3A_37 = vector.broadcast %jit3A_36 : i32 to vector<1x512xi32>
      %select_n3A_38 = arith.select %ge3A_35, %iota3A_33, %broadcast_in_dim3A_37 : vector<1x512xi1>, vector<1x512xi32>
      %reduce_min3A_39 = vector.shape_cast %select_n3A_38 : vector<1x512xi32> to vector<1x1x512xi32>
      %reduce_min3A_40 = arith.constant dense<2147483647> : vector<1xi32>
      %reduce_min3A_41 = vector.multi_reduction <minsi>, %reduce_min3A_39, %reduce_min3A_40 [1, 2] : vector<1x1x512xi32> to vector<1xi32>
      %reduce_min3A_42 = vector.shape_cast %reduce_min3A_41 : vector<1xi32> to vector<1x1x1xi32>
      %reduce_min3A_43 = vector.extract %reduce_min3A_42[0, 0, 0] : i32 from vector<1x1x1xi32>
      %mul3A = arith.constant 512 : i32
      %mul3A_44 = arith.muli %reduce_min3A_29, %mul3A : i32
      %add3A = arith.addi %mul3A_44, %reduce_min3A_43 : i32
      %broadcast_in_dim3A_45 = vector.broadcast %add3A : i32 to vector<1x1xi32>
      %swap3A_46 = arith.index_cast %scan3A_15 : i32 to index
      %swap3A_47 = arith.constant 0 : index
      %swap3A_48 = vector.load %arg2[%swap3A_46, %swap3A_47] : memref<256x1xi32, #tpu.memory_space<vmem>>, vector<1x1xi32>
      tpu.vector_store %arg2[%swap3A_46, %swap3A_47], %broadcast_in_dim3A_45 {strides = array<i32>} : memref<256x1xi32, #tpu.memory_space<vmem>>, vector<1x1xi32>,
      %eq3A = vector.broadcast %reduce_min3A_43 : i32 to vector<1x512xi32>
      %eq3A_49 = arith.cmpi eq, %iota3A_33, %eq3A : vector<1x512xi32>
      %get3A_50 = arith.constant 0 : index
      %get3A_51 = arith.index_cast %reduce_min3A_29 : i32 to index
      %get3A_52 = arith.constant 0 : index
      %get3A_53 = vector.load %arg1[%get3A_50, %get3A_51, %get3A_52] : memref<4x400x512xf32, #tpu.memory_space<vmem>>, vector<1x1x512xf32>
      %get3A_54 = vector.shape_cast %get3A_53 : vector<1x1x512xf32> to vector<1x512xf32>
      %jit3A_55 = arith.constant 0.000000e+00 : f32
      %broadcast_in_dim3A_56 = vector.broadcast %jit3A_55 : f32 to vector<1x512xf32>
      %select_n3A_57 = arith.select %eq3A_49, %get3A_54, %broadcast_in_dim3A_56 : vector<1x512xi1>, vector<1x512xf32>
      %reduce_sum3A = arith.constant dense<0.000000e+00> : vector<1xf32>
      %reduce_sum3A_58 = vector.multi_reduction <add>, %select_n3A_57, %reduce_sum3A [1] : vector<1x512xf32> to vector<1xf32>
      %broadcast_in_dim3A_59 = vector.shape_cast %reduce_sum3A_58 : vector<1xf32> to vector<1x1xf32>
      %get3A_60 = arith.constant 1 : index
      %get3A_61 = arith.index_cast %reduce_min3A_29 : i32 to index
      %get3A_62 = arith.constant 0 : index
      %get3A_63 = vector.load %arg1[%get3A_60, %get3A_61, %get3A_62] : memref<4x400x512xf32, #tpu.memory_space<vmem>>, vector<1x1x512xf32>
      %get3A_64 = vector.shape_cast %get3A_63 : vector<1x1x512xf32> to vector<1x512xf32>
      %jit3A_65 = arith.constant 0.000000e+00 : f32
      %broadcast_in_dim3A_66 = vector.broadcast %jit3A_65 : f32 to vector<1x512xf32>
      %select_n3A_67 = arith.select %eq3A_49, %get3A_64, %broadcast_in_dim3A_66 : vector<1x512xi1>, vector<1x512xf32>
      %reduce_sum3A_68 = arith.constant dense<0.000000e+00> : vector<1xf32>
      %reduce_sum3A_69 = vector.multi_reduction <add>, %select_n3A_67, %reduce_sum3A_68 [1] : vector<1x512xf32> to vector<1xf32>
      %broadcast_in_dim3A_70 = vector.shape_cast %reduce_sum3A_69 : vector<1xf32> to vector<1x1xf32>
      %get3A_71 = arith.constant 2 : index
      %get3A_72 = arith.index_cast %reduce_min3A_29 : i32 to index
      %get3A_73 = arith.constant 0 : index
      %get3A_74 = vector.load %arg1[%get3A_71, %get3A_72, %get3A_73] : memref<4x400x512xf32, #tpu.memory_space<vmem>>, vector<1x1x512xf32>
      %get3A_75 = vector.shape_cast %get3A_74 : vector<1x1x512xf32> to vector<1x512xf32>
      %jit3A_76 = arith.constant 0.000000e+00 : f32
      %broadcast_in_dim3A_77 = vector.broadcast %jit3A_76 : f32 to vector<1x512xf32>
      %select_n3A_78 = arith.select %eq3A_49, %get3A_75, %broadcast_in_dim3A_77 : vector<1x512xi1>, vector<1x512xf32>
      %reduce_sum3A_79 = arith.constant dense<0.000000e+00> : vector<1xf32>
      %reduce_sum3A_80 = vector.multi_reduction <add>, %select_n3A_78, %reduce_sum3A_79 [1] : vector<1x512xf32> to vector<1xf32>
      %broadcast_in_dim3A_81 = vector.shape_cast %reduce_sum3A_80 : vector<1xf32> to vector<1x1xf32>
      %get3A_82 = arith.constant 3 : index
      %get3A_83 = arith.index_cast %reduce_min3A_29 : i32 to index
      %get3A_84 = arith.constant 0 : index
      %get3A_85 = vector.load %arg1[%get3A_82, %get3A_83, %get3A_84] : memref<4x400x512xf32, #tpu.memory_space<vmem>>, vector<1x1x512xf32>
      %get3A_86 = vector.shape_cast %get3A_85 : vector<1x1x512xf32> to vector<1x512xf32>
      %jit3A_87 = arith.constant 0.000000e+00 : f32
      %broadcast_in_dim3A_88 = vector.broadcast %jit3A_87 : f32 to vector<1x512xf32>
      %select_n3A_89 = arith.select %eq3A_49, %get3A_86, %broadcast_in_dim3A_88 : vector<1x512xi1>, vector<1x512xf32>
      %reduce_sum3A_90 = arith.constant dense<0.000000e+00> : vector<1xf32>
      %reduce_sum3A_91 = vector.multi_reduction <add>, %select_n3A_89, %reduce_sum3A_90 [1] : vector<1x512xf32> to vector<1xf32>
      %broadcast_in_dim3A_92 = vector.shape_cast %reduce_sum3A_91 : vector<1xf32> to vector<1x1xf32>
      %concatenate3A = tpu.concatenate %broadcast_in_dim3A_59, %broadcast_in_dim3A_70, %broadcast_in_dim3A_81, %broadcast_in_dim3A_92 in 1 : vector<1x1xf32>, vector<1x1xf32>, vector<1x1xf32>, vector<1x1xf32> -> vector<1x4xf32>
      %swap3A_93 = arith.index_cast %scan3A_15 : i32 to index
      %swap3A_94 = arith.constant 0 : index
      %swap3A_95 = vector.load %arg3[%swap3A_93, %swap3A_94] : memref<256x4xf32, #tpu.memory_space<vmem>>, vector<1x4xf32>
      tpu.vector_store %arg3[%swap3A_93, %swap3A_94], %concatenate3A {strides = array<i32>} : memref<256x4xf32, #tpu.memory_space<vmem>>, vector<1x4xf32>,
      %jit3A_96 = arith.constant -3.000000e+38 : f32
      %broadcast_in_dim3A_97 = vector.broadcast %jit3A_96 : f32 to vector<1x512xf32>
      %select_n3A_98 = arith.select %eq3A_49, %broadcast_in_dim3A_97, %get3A_32 : vector<1x512xi1>, vector<1x512xf32>
      %swap3A_99 = arith.index_cast %reduce_min3A_29 : i32 to index
      %swap3A_100 = arith.constant 0 : index
      %swap3A_101 = vector.load %arg4[%swap3A_99, %swap3A_100] : memref<400x512xf32, #tpu.memory_space<vmem>>, vector<1x512xf32>
      tpu.vector_store %arg4[%swap3A_99, %swap3A_100], %select_n3A_98 {strides = array<i32>} : memref<400x512xf32, #tpu.memory_space<vmem>>, vector<1x512xf32>,
      %reduce_max3A_102 = arith.constant dense<0xFF800000> : vector<1xf32>
      %reduce_max3A_103 = vector.multi_reduction <maximumf>, %select_n3A_98, %reduce_max3A_102 [1] : vector<1x512xf32> to vector<1xf32>
      %broadcast_in_dim3A_104 = vector.shape_cast %reduce_max3A_103 : vector<1xf32> to vector<1x1xf32>
      %swap3A_105 = arith.index_cast %reduce_min3A_29 : i32 to index
      %swap3A_106 = arith.constant 0 : index
      %swap3A_107 = vector.load %arg5[%swap3A_105, %swap3A_106] : memref<400x1xf32, #tpu.memory_space<vmem>>, vector<1x1xf32>
      tpu.vector_store %arg5[%swap3A_105, %swap3A_106], %broadcast_in_dim3A_104 {strides = array<i32>} : memref<400x1xf32, #tpu.memory_space<vmem>>, vector<1x1xf32>,
    }
    %scan3A_14 = arith.constant 256 : i32
    return
  }
}

module attributes {stable_mosaic.version = 14 : i64} {
  func.func @_k3_body(%arg0: i32, %arg1: memref<256x4xf32, #tpu.memory_space<vmem>>, %arg2: memref<4x2048xf32, #tpu.memory_space<vmem>>, %arg3: memref<1x2048xf32, #tpu.memory_space<vmem>>, %arg4: memref<256x16xi32, #tpu.memory_space<vmem>>, %arg5: memref<256x16xf32, #tpu.memory_space<vmem>>, %arg6: memref<256x16xi32, #tpu.memory_space<vmem>>, %arg7: memref<256x2048xf32, #tpu.memory_space<vmem>>, %arg8: memref<1xi32, #tpu.memory_space<smem>>) attributes {dimension_semantics = [#tpu.dimension_semantics<arbitrary>], iteration_bounds = array<i64: 100>, scalar_prefetch = 0 : i64, scratch_operands = 4 : i64, tpu.core_type = #tpu.core_type<tc>, window_params = [{pipeline_mode = #tpu.pipeline_mode<synchronous>, transform_indices = @transform_0, window_bounds = array<i64: 256, 4>}, {transform_indices = @transform_1, window_bounds = array<i64: 4, 2048>}, {transform_indices = @transform_2, window_bounds = array<i64: 1, 2048>}, {pipeline_mode = #tpu.pipeline_mode<synchronous>, transform_indices = @transform_3, window_bounds = array<i64: 256, 16>}]} {
    %eq3A = arith.constant 0 : i32
    %eq3A_0 = arith.cmpi eq, %arg0, %eq3A : i32
    %convert_element_type3A = arith.extui %eq3A_0 : i1 to i32
    %cond3A = arith.constant 0 : i32
    %cond3A_1 = arith.cmpi ne, %convert_element_type3A, %cond3A : i32
    scf.if %cond3A_1 {
      %broadcast_in_dim3A_35 = arith.constant 3.000000e+38 : f32
      %broadcast_in_dim3A_36 = vector.broadcast %broadcast_in_dim3A_35 : f32 to vector<256x16xf32>
      %swap3A_37 = arith.constant 0 : index
      %swap3A_38 = arith.constant 0 : index
      %swap3A_39 = vector.load %arg5[%swap3A_37, %swap3A_38] : memref<256x16xf32, #tpu.memory_space<vmem>>, vector<256x16xf32>
      tpu.vector_store %arg5[%swap3A_37, %swap3A_38], %broadcast_in_dim3A_36 {strides = array<i32>} : memref<256x16xf32, #tpu.memory_space<vmem>>, vector<256x16xf32>,
      %broadcast_in_dim3A_40 = arith.constant 0 : i32
      %broadcast_in_dim3A_41 = vector.broadcast %broadcast_in_dim3A_40 : i32 to vector<256x16xi32>
      %swap3A_42 = arith.constant 0 : index
      %swap3A_43 = arith.constant 0 : index
      %swap3A_44 = vector.load %arg6[%swap3A_42, %swap3A_43] : memref<256x16xi32, #tpu.memory_space<vmem>>, vector<256x16xi32>
      tpu.vector_store %arg6[%swap3A_42, %swap3A_43], %broadcast_in_dim3A_41 {strides = array<i32>} : memref<256x16xi32, #tpu.memory_space<vmem>>, vector<256x16xi32>,
    } else {
    }
    %get3A = arith.constant 0 : index
    %get3A_2 = arith.constant 0 : index
    %get3A_3 = vector.load %arg1[%get3A, %get3A_2] : memref<256x4xf32, #tpu.memory_space<vmem>>, vector<256x4xf32>
    %mul3A = arith.mulf %get3A_3, %get3A_3 : vector<256x4xf32>
    %reduce_sum3A = arith.constant dense<0.000000e+00> : vector<256xf32>
    %reduce_sum3A_4 = vector.multi_reduction <add>, %mul3A, %reduce_sum3A [1] : vector<256x4xf32> to vector<256xf32>
    %broadcast_in_dim3A = vector.shape_cast %reduce_sum3A_4 : vector<256xf32> to vector<256x1xf32>
    %get3A_5 = arith.constant 0 : index
    %get3A_6 = arith.constant 0 : index
    %get3A_7 = vector.load %arg2[%get3A_5, %get3A_6] : memref<4x2048xf32, #tpu.memory_space<vmem>>, vector<4x2048xf32>
    %dot_general3A = arith.constant dense<0.000000e+00> : vector<256x2048xf32>
    %dot_general3A_8 = tpu.matmul %get3A_3, %get3A_7, %dot_general3A {dimension_numbers = #tpu.dot_dimension_numbers<[1], [0], [0], [1], [0, 0, 1, 1], [], []>, transpose_lhs_hint = false} : vector<256x4xf32>, vector<4x2048xf32>, vector<256x2048xf32> -> vector<256x2048xf32>
    %get3A_9 = arith.constant 0 : index
    %get3A_10 = arith.constant 0 : index
    %get3A_11 = vector.load %arg3[%get3A_9, %get3A_10] : memref<1x2048xf32, #tpu.memory_space<vmem>>, vector<1x2048xf32>
    %add3A = vector.broadcast %broadcast_in_dim3A : vector<256x1xf32> to vector<256x2048xf32>
    %add3A_12 = vector.broadcast %get3A_11 : vector<1x2048xf32> to vector<256x2048xf32>
    %add3A_13 = arith.addf %add3A, %add3A_12 : vector<256x2048xf32>
    %mul3A_14 = arith.constant 2.000000e+00 : f32
    %mul3A_15 = vector.broadcast %mul3A_14 : f32 to vector<256x2048xf32>
    %mul3A_16 = arith.mulf %mul3A_15, %dot_general3A_8 : vector<256x2048xf32>
    %sub3A = arith.subf %add3A_13, %mul3A_16 : vector<256x2048xf32>
    %max3A = arith.constant 0.000000e+00 : f32
    %max3A_17 = vector.broadcast %max3A : f32 to vector<256x2048xf32>
    %max3A_18 = arith.maximumf %sub3A, %max3A_17 : vector<256x2048xf32>
    %swap3A = arith.constant 0 : index
    %swap3A_19 = arith.constant 0 : index
    %swap3A_20 = vector.load %arg7[%swap3A, %swap3A_19] : memref<256x2048xf32, #tpu.memory_space<vmem>>, vector<256x2048xf32>
    tpu.vector_store %arg7[%swap3A, %swap3A_19], %max3A_18 {strides = array<i32>} : memref<256x2048xf32, #tpu.memory_space<vmem>>, vector<256x2048xf32>,
    %mul3A_21 = arith.constant 2048 : i32
    %mul3A_22 = arith.muli %arg0, %mul3A_21 : i32
    %swap3A_23 = arith.constant 1 : i32
    %swap3A_24 = arith.constant 0 : index
    %swap3A_25 = memref.load %arg8[%swap3A_24] : memref<1xi32, #tpu.memory_space<smem>>
    memref.store %swap3A_23, %arg8[%swap3A_24] : memref<1xi32, #tpu.memory_space<smem>>
    %iota3A = tpu.iota {dimensions = array<i32: 1>} : vector<256x2048xi32>
    %iota3A_26 = tpu.iota {dimensions = array<i32: 1>} : vector<256x16xi32>
    %scan3A = arith.constant 0 : i32
    %scan3A_27 = arith.constant 16 : i32
    %scan3A_28 = arith.addi %scan3A, %scan3A_27 : i32
    %scan3A_29 = arith.constant 1 : i32
    scf.for %scan3A_35 = %scan3A to %scan3A_28 step %scan3A_29  : i32 {
      %get3A_36 = arith.constant 0 : index
      %get3A_37 = memref.load %arg8[%get3A_36] : memref<1xi32, #tpu.memory_space<smem>>
      %gt3A = arith.constant 0 : i32
      %gt3A_38 = arith.cmpi sgt, %get3A_37, %gt3A : i32
      %convert_element_type3A_39 = arith.extui %gt3A_38 : i1 to i32
      %cond3A_40 = arith.constant 0 : i32
      %cond3A_41 = arith.cmpi ne, %convert_element_type3A_39, %cond3A_40 : i32
      scf.if %cond3A_41 {
        %get3A_42 = arith.constant 0 : index
        %get3A_43 = arith.constant 0 : index
        %get3A_44 = vector.load %arg5[%get3A_42, %get3A_43] : memref<256x16xf32, #tpu.memory_space<vmem>>, vector<256x16xf32>
        %reduce_max3A = arith.constant dense<0xFF800000> : vector<256xf32>
        %reduce_max3A_45 = vector.multi_reduction <maximumf>, %get3A_44, %reduce_max3A [1] : vector<256x16xf32> to vector<256xf32>
        %broadcast_in_dim3A_46 = vector.shape_cast %reduce_max3A_45 : vector<256xf32> to vector<256x1xf32>
        %get3A_47 = arith.constant 0 : index
        %get3A_48 = arith.constant 0 : index
        %get3A_49 = vector.load %arg7[%get3A_47, %get3A_48] : memref<256x2048xf32, #tpu.memory_space<vmem>>, vector<256x2048xf32>
        %reduce_min3A = arith.constant dense<0x7F800000> : vector<256xf32>
        %reduce_min3A_50 = vector.multi_reduction <minimumf>, %get3A_49, %reduce_min3A [1] : vector<256x2048xf32> to vector<256xf32>
        %broadcast_in_dim3A_51 = vector.shape_cast %reduce_min3A_50 : vector<256xf32> to vector<256x1xf32>
        %lt3A = arith.cmpf olt, %broadcast_in_dim3A_51, %broadcast_in_dim3A_46 : vector<256x1xf32>
        %le3A = vector.broadcast %broadcast_in_dim3A_51 : vector<256x1xf32> to vector<256x2048xf32>
        %le3A_52 = arith.cmpf ole, %get3A_49, %le3A : vector<256x2048xf32>
        %jit3A = arith.constant 2048 : i32
        %broadcast_in_dim3A_53 = vector.broadcast %jit3A : i32 to vector<256x2048xi32>
        %select_n3A = arith.select %le3A_52, %iota3A, %broadcast_in_dim3A_53 : vector<256x2048xi1>, vector<256x2048xi32>
        %reduce_min3A_54 = arith.constant dense<2147483647> : vector<256xi32>
        %reduce_min3A_55 = vector.multi_reduction <minsi>, %select_n3A, %reduce_min3A_54 [1] : vector<256x2048xi32> to vector<256xi32>
        %broadcast_in_dim3A_56 = vector.shape_cast %reduce_min3A_55 : vector<256xi32> to vector<256x1xi32>
        %eq3A_57 = vector.broadcast %broadcast_in_dim3A_56 : vector<256x1xi32> to vector<256x2048xi32>
        %eq3A_58 = arith.cmpi eq, %iota3A, %eq3A_57 : vector<256x2048xi32>
        %and3A = vector.broadcast %lt3A : vector<256x1xi1> to vector<256x2048xi1>
        %and3A_59 = arith.andi %eq3A_58, %and3A : vector<256x2048xi1>
        %jit3A_60 = arith.constant 3.000000e+38 : f32
        %broadcast_in_dim3A_61 = vector.broadcast %jit3A_60 : f32 to vector<256x2048xf32>
        %select_n3A_62 = arith.select %and3A_59, %broadcast_in_dim3A_61, %get3A_49 : vector<256x2048xi1>, vector<256x2048xf32>
        %swap3A_63 = arith.constant 0 : index
        %swap3A_64 = arith.constant 0 : index
        %swap3A_65 = vector.load %arg7[%swap3A_63, %swap3A_64] : memref<256x2048xf32, #tpu.memory_space<vmem>>, vector<256x2048xf32>
        tpu.vector_store %arg7[%swap3A_63, %swap3A_64], %select_n3A_62 {strides = array<i32>} : memref<256x2048xf32, #tpu.memory_space<vmem>>, vector<256x2048xf32>,
        %ge3A = vector.broadcast %broadcast_in_dim3A_46 : vector<256x1xf32> to vector<256x16xf32>
        %ge3A_66 = arith.cmpf oge, %get3A_44, %ge3A : vector<256x16xf32>
        %jit3A_67 = arith.constant 16 : i32
        %broadcast_in_dim3A_68 = vector.broadcast %jit3A_67 : i32 to vector<256x16xi32>
        %select_n3A_69 = arith.select %ge3A_66, %iota3A_26, %broadcast_in_dim3A_68 : vector<256x16xi1>, vector<256x16xi32>
        %reduce_min3A_70 = arith.constant dense<2147483647> : vector<256xi32>
        %reduce_min3A_71 = vector.multi_reduction <minsi>, %select_n3A_69, %reduce_min3A_70 [1] : vector<256x16xi32> to vector<256xi32>
        %broadcast_in_dim3A_72 = vector.shape_cast %reduce_min3A_71 : vector<256xi32> to vector<256x1xi32>
        %eq3A_73 = vector.broadcast %broadcast_in_dim3A_72 : vector<256x1xi32> to vector<256x16xi32>
        %eq3A_74 = arith.cmpi eq, %iota3A_26, %eq3A_73 : vector<256x16xi32>
        %and3A_75 = vector.broadcast %lt3A : vector<256x1xi1> to vector<256x16xi1>
        %and3A_76 = arith.andi %eq3A_74, %and3A_75 : vector<256x16xi1>
        %broadcast_in_dim3A_77 = vector.shape_cast %broadcast_in_dim3A_51 : vector<256x1xf32> to vector<256x1xf32>
        %broadcast_in_dim3A_78 = vector.broadcast %broadcast_in_dim3A_77 : vector<256x1xf32> to vector<256x16xf32>
        %select_n3A_79 = arith.select %and3A_76, %broadcast_in_dim3A_78, %get3A_44 : vector<256x16xi1>, vector<256x16xf32>
        %swap3A_80 = arith.constant 0 : index
        %swap3A_81 = arith.constant 0 : index
        %swap3A_82 = vector.load %arg5[%swap3A_80, %swap3A_81] : memref<256x16xf32, #tpu.memory_space<vmem>>, vector<256x16xf32>
        tpu.vector_store %arg5[%swap3A_80, %swap3A_81], %select_n3A_79 {strides = array<i32>} : memref<256x16xf32, #tpu.memory_space<vmem>>, vector<256x16xf32>,
        %add3A_83 = vector.broadcast %mul3A_22 : i32 to vector<256x1xi32>
        %add3A_84 = arith.addi %add3A_83, %broadcast_in_dim3A_56 : vector<256x1xi32>
        %get3A_85 = arith.constant 0 : index
        %get3A_86 = arith.constant 0 : index
        %get3A_87 = vector.load %arg6[%get3A_85, %get3A_86] : memref<256x16xi32, #tpu.memory_space<vmem>>, vector<256x16xi32>
        %broadcast_in_dim3A_88 = vector.shape_cast %add3A_84 : vector<256x1xi32> to vector<256x1xi32>
        %broadcast_in_dim3A_89 = vector.broadcast %broadcast_in_dim3A_88 : vector<256x1xi32> to vector<256x16xi32>
        %select_n3A_90 = arith.select %and3A_76, %broadcast_in_dim3A_89, %get3A_87 : vector<256x16xi1>, vector<256x16xi32>
        %swap3A_91 = arith.constant 0 : index
        %swap3A_92 = arith.constant 0 : index
        %swap3A_93 = vector.load %arg6[%swap3A_91, %swap3A_92] : memref<256x16xi32, #tpu.memory_space<vmem>>, vector<256x16xi32>
        tpu.vector_store %arg6[%swap3A_91, %swap3A_92], %select_n3A_90 {strides = array<i32>} : memref<256x16xi32, #tpu.memory_space<vmem>>, vector<256x16xi32>,
        %convert_element_type3A_94 = arith.extui %lt3A : vector<256x1xi1> to vector<256x1xi32>
        %reduce_sum3A_95 = vector.shape_cast %convert_element_type3A_94 : vector<256x1xi32> to vector<1x256x1xi32>
        %reduce_sum3A_96 = arith.constant dense<0> : vector<1xi32>
        %reduce_sum3A_97 = vector.multi_reduction <add>, %reduce_sum3A_95, %reduce_sum3A_96 [1, 2] : vector<1x256x1xi32> to vector<1xi32>
        %reduce_sum3A_98 = vector.shape_cast %reduce_sum3A_97 : vector<1xi32> to vector<1x1x1xi32>
        %reduce_sum3A_99 = vector.extract %reduce_sum3A_98[0, 0, 0] : i32 from vector<1x1x1xi32>
        %swap3A_100 = arith.constant 0 : index
        %swap3A_101 = memref.load %arg8[%swap3A_100] : memref<1xi32, #tpu.memory_space<smem>>
        memref.store %reduce_sum3A_99, %arg8[%swap3A_100] : memref<1xi32, #tpu.memory_space<smem>>
      } else {
      }
    }
    %eq3A_30 = arith.constant 99 : i32
    %eq3A_31 = arith.cmpi eq, %arg0, %eq3A_30 : i32
    %convert_element_type3A_32 = arith.extui %eq3A_31 : i1 to i32
    %cond3A_33 = arith.constant 0 : i32
    %cond3A_34 = arith.cmpi ne, %convert_element_type3A_32, %cond3A_33 : i32
    scf.if %cond3A_34 {
      %get3A_35 = arith.constant 0 : index
      %get3A_36 = arith.constant 0 : index
      %get3A_37 = vector.load %arg6[%get3A_35, %get3A_36] : memref<256x16xi32, #tpu.memory_space<vmem>>, vector<256x16xi32>
      %swap3A_38 = arith.constant 0 : index
      %swap3A_39 = arith.constant 0 : index
      %swap3A_40 = vector.load %arg4[%swap3A_38, %swap3A_39] : memref<256x16xi32, #tpu.memory_space<vmem>>, vector<256x16xi32>
      tpu.vector_store %arg4[%swap3A_38, %swap3A_39], %get3A_37 {strides = array<i32>} : memref<256x16xi32, #tpu.memory_space<vmem>>, vector<256x16xi32>,
    } else {
    }
    return
  }
  func.func @transform_0(%arg0: i32) -> (i32, i32) {
    %c0_i32 = arith.constant 0 : i32
    %c0_i32_0 = arith.constant 0 : i32
    %c0_i32_1 = arith.constant 0 : i32
    return %c0_i32, %c0_i32_0 : i32, i32
  }
  func.func @transform_1(%arg0: i32) -> (i32, i32) {
    %c0_i32 = arith.constant 0 : i32
    %c0_i32_0 = arith.constant 0 : i32
    return %c0_i32, %arg0 : i32, i32
  }
  func.func @transform_2(%arg0: i32) -> (i32, i32) {
    %c0_i32 = arith.constant 0 : i32
    %c0_i32_0 = arith.constant 0 : i32
    return %c0_i32, %arg0 : i32, i32
  }
  func.func @transform_3(%arg0: i32) -> (i32, i32) {
    %c0_i32 = arith.constant 0 : i32
    %c0_i32_0 = arith.constant 0 : i32
    %c0_i32_1 = arith.constant 0 : i32
    return %c0_i32, %c0_i32_0 : i32, i32
  }
}

module attributes {stable_mosaic.version = 14 : i64} {
  func.func @_k5_body(%arg0: memref<16x256x128xf32, #tpu.memory_space<vmem>>, %arg1: memref<256x4xf32, #tpu.memory_space<vmem>>, %arg2: memref<4x256xf32, #tpu.memory_space<vmem>>, %arg3: memref<128x64xf32, #tpu.memory_space<vmem>>, %arg4: memref<1x64xf32, #tpu.memory_space<vmem>>, %arg5: memref<64x64xf32, #tpu.memory_space<vmem>>, %arg6: memref<1x64xf32, #tpu.memory_space<vmem>>, %arg7: memref<256x64xf32, #tpu.memory_space<vmem>>, %arg8: memref<256x4xf32, #tpu.memory_space<vmem>>) attributes {dimension_semantics = [], scalar_prefetch = 0 : i64, scratch_operands = 0 : i64, tpu.core_type = #tpu.core_type<tc>} {
    %get3A = arith.constant 0 : index
    %get3A_0 = arith.constant 0 : index
    %get3A_1 = arith.constant 0 : index
    %get3A_2 = vector.load %arg0[%get3A, %get3A_0, %get3A_1] : memref<16x256x128xf32, #tpu.memory_space<vmem>>, vector<16x256x128xf32>
    %reduce_max3A = arith.constant dense<0xFF800000> : vector<256x128xf32>
    %reduce_max3A_3 = vector.multi_reduction <maximumf>, %get3A_2, %reduce_max3A [0] : vector<16x256x128xf32> to vector<256x128xf32>
    %get3A_4 = arith.constant 0 : index
    %get3A_5 = arith.constant 0 : index
    %get3A_6 = vector.load %arg3[%get3A_4, %get3A_5] : memref<128x64xf32, #tpu.memory_space<vmem>>, vector<128x64xf32>
    %dot_general3A = arith.constant dense<0.000000e+00> : vector<256x64xf32>
    %dot_general3A_7 = tpu.matmul %reduce_max3A_3, %get3A_6, %dot_general3A {dimension_numbers = #tpu.dot_dimension_numbers<[1], [0], [0], [1], [0, 0, 1, 1], [], []>, transpose_lhs_hint = false} : vector<256x128xf32>, vector<128x64xf32>, vector<256x64xf32> -> vector<256x64xf32>
    %get3A_8 = arith.constant 0 : index
    %get3A_9 = arith.constant 0 : index
    %get3A_10 = vector.load %arg4[%get3A_8, %get3A_9] : memref<1x64xf32, #tpu.memory_space<vmem>>, vector<1x64xf32>
    %add3A = vector.broadcast %get3A_10 : vector<1x64xf32> to vector<256x64xf32>
    %add3A_11 = arith.addf %dot_general3A_7, %add3A : vector<256x64xf32>
    %max3A = arith.constant 0.000000e+00 : f32
    %max3A_12 = vector.broadcast %max3A : f32 to vector<256x64xf32>
    %max3A_13 = arith.maximumf %add3A_11, %max3A_12 : vector<256x64xf32>
    %get3A_14 = arith.constant 0 : index
    %get3A_15 = arith.constant 0 : index
    %get3A_16 = vector.load %arg5[%get3A_14, %get3A_15] : memref<64x64xf32, #tpu.memory_space<vmem>>, vector<64x64xf32>
    %dot_general3A_17 = arith.constant dense<0.000000e+00> : vector<256x64xf32>
    %dot_general3A_18 = tpu.matmul %max3A_13, %get3A_16, %dot_general3A_17 {dimension_numbers = #tpu.dot_dimension_numbers<[1], [0], [0], [1], [0, 0, 1, 1], [], []>, transpose_lhs_hint = false} : vector<256x64xf32>, vector<64x64xf32>, vector<256x64xf32> -> vector<256x64xf32>
    %get3A_19 = arith.constant 0 : index
    %get3A_20 = arith.constant 0 : index
    %get3A_21 = vector.load %arg6[%get3A_19, %get3A_20] : memref<1x64xf32, #tpu.memory_space<vmem>>, vector<1x64xf32>
    %add3A_22 = vector.broadcast %get3A_21 : vector<1x64xf32> to vector<256x64xf32>
    %add3A_23 = arith.addf %dot_general3A_18, %add3A_22 : vector<256x64xf32>
    %get3A_24 = arith.constant 0 : index
    %get3A_25 = arith.constant 3 : index
    %get3A_26 = vector.load %arg1[%get3A_24, %get3A_25] : memref<256x4xf32, #tpu.memory_space<vmem>>, vector<256x1xf32>
    %get3A_27 = arith.constant 3 : index
    %get3A_28 = arith.constant 0 : index
    %get3A_29 = vector.load %arg2[%get3A_27, %get3A_28] : memref<4x256xf32, #tpu.memory_space<vmem>>, vector<1x256xf32>
    %iota3A = tpu.iota {dimensions = array<i32: 0>} : vector<256x1xi32>
    %iota3A_30 = tpu.iota {dimensions = array<i32: 1>} : vector<1x256xi32>
    %lt3A = vector.broadcast %get3A_26 : vector<256x1xf32> to vector<256x256xf32>
    %lt3A_31 = vector.broadcast %get3A_29 : vector<1x256xf32> to vector<256x256xf32>
    %lt3A_32 = arith.cmpf olt, %lt3A, %lt3A_31 : vector<256x256xf32>
    %eq3A = vector.broadcast %get3A_26 : vector<256x1xf32> to vector<256x256xf32>
    %eq3A_33 = vector.broadcast %get3A_29 : vector<1x256xf32> to vector<256x256xf32>
    %eq3A_34 = arith.cmpf oeq, %eq3A, %eq3A_33 : vector<256x256xf32>
    %lt3A_35 = vector.broadcast %iota3A : vector<256x1xi32> to vector<256x256xi32>
    %lt3A_36 = vector.broadcast %iota3A_30 : vector<1x256xi32> to vector<256x256xi32>
    %lt3A_37 = arith.cmpi slt, %lt3A_35, %lt3A_36 : vector<256x256xi32>
    %and3A = arith.andi %eq3A_34, %lt3A_37 : vector<256x256xi1>
    %or3A = arith.ori %lt3A_32, %and3A : vector<256x256xi1>
    %convert_element_type3A = arith.extui %or3A : vector<256x256xi1> to vector<256x256xi32>
    %reduce_sum3A = arith.constant dense<0> : vector<256xi32>
    %reduce_sum3A_38 = vector.multi_reduction <add>, %convert_element_type3A, %reduce_sum3A [0] : vector<256x256xi32> to vector<256xi32>
    %broadcast_in_dim3A = vector.shape_cast %reduce_sum3A_38 : vector<256xi32> to vector<1x256xi32>
    %iota3A_39 = tpu.iota {dimensions = array<i32: 0>} : vector<256x256xi32>
    %eq3A_40 = vector.broadcast %broadcast_in_dim3A : vector<1x256xi32> to vector<256x256xi32>
    %eq3A_41 = arith.cmpi eq, %iota3A_39, %eq3A_40 : vector<256x256xi32>
    %convert_element_type3A_42 = arith.extui %eq3A_41 : vector<256x256xi1> to vector<256x256xi32>
    %convert_element_type3A_43 = arith.sitofp %convert_element_type3A_42 : vector<256x256xi32> to vector<256x256xf32>
    %dot_general3A_44 = arith.constant dense<0.000000e+00> : vector<256x64xf32>
    %dot_general3A_45 = tpu.matmul %convert_element_type3A_43, %add3A_23, %dot_general3A_44 {dimension_numbers = #tpu.dot_dimension_numbers<[1], [0], [0], [1], [0, 0, 1, 1], [], []>, transpose_lhs_hint = false} : vector<256x256xf32>, vector<256x64xf32>, vector<256x64xf32> -> vector<256x64xf32>
    %swap3A = arith.constant 0 : index
    %swap3A_46 = arith.constant 0 : index
    %swap3A_47 = vector.load %arg7[%swap3A, %swap3A_46] : memref<256x64xf32, #tpu.memory_space<vmem>>, vector<256x64xf32>
    tpu.vector_store %arg7[%swap3A, %swap3A_46], %dot_general3A_45 {strides = array<i32>} : memref<256x64xf32, #tpu.memory_space<vmem>>, vector<256x64xf32>,
    %get3A_48 = arith.constant 0 : index
    %get3A_49 = arith.constant 0 : index
    %get3A_50 = vector.load %arg1[%get3A_48, %get3A_49] : memref<256x4xf32, #tpu.memory_space<vmem>>, vector<256x4xf32>
    %dot_general3A_51 = arith.constant dense<0.000000e+00> : vector<256x4xf32>
    %dot_general3A_52 = tpu.matmul %convert_element_type3A_43, %get3A_50, %dot_general3A_51 {dimension_numbers = #tpu.dot_dimension_numbers<[1], [0], [0], [1], [0, 0, 1, 1], [], []>, transpose_lhs_hint = false} : vector<256x256xf32>, vector<256x4xf32>, vector<256x4xf32> -> vector<256x4xf32>
    %swap3A_53 = arith.constant 0 : index
    %swap3A_54 = arith.constant 0 : index
    %swap3A_55 = vector.load %arg8[%swap3A_53, %swap3A_54] : memref<256x4xf32, #tpu.memory_space<vmem>>, vector<256x4xf32>
    tpu.vector_store %arg8[%swap3A_53, %swap3A_54], %dot_general3A_52 {strides = array<i32>} : memref<256x4xf32, #tpu.memory_space<vmem>>, vector<256x4xf32>,
    return
  }
}

</mosaic_0001>

<sc_bundles>
// kernel: kernel.7.cloned.1.call-start
scs
__scs_entry_jumppad:
0x0: {  	(pc) =	sbr.rel $0x88, $3  }
0x1: {  	(tag) =	ssettag $0x0;
	lr =	simm.s32 $0x1  }
0x2: {  	[smem:$0x3F8E] =	sst lr;
	_ =	strace $0xD0000000  }
0x3: {  	_ = 	snop  }
0x4: {  	_ = 	snop  }
0x5: {  	_ = 	snop  }
0x6: {  	_ = 	snop  }
0x7: {  	_ = 	snop  }
__scs_overlays_trampoline_lowered:
0x8: {  	[smem:$0x3F9D] =	sst s0  }
0x9: {  	[smem:$0x3F9E] =	sst s1  }
0xa: {  	[smem:$0x3F9F] =	sst s2  }
0xb: {  	[smem:$0x3FA0] =	sst s3  }
0xc: {  	[smem:$0x3FA1] =	sst s4  }
0xd: {  	[smem:$0x3FA2] =	sst s5  }
0xe: {  	[smem:$0x3FA3] =	sst s6  }
0xf: {  	[smem:$0x3FA4] =	sst s7  }
0x10: {  	[smem:$0x3FA5] =	sst s8  }
0x11: {  	[smem:$0x3FA6] =	sst s9;
	s0 =	simm.s32 @!p0 $0x0  }
0x12: {  	s1 =	sld [smem:$0x3F8C];
	s0 =	simm.s32 @p0 $0x1  }
0x13: {  	[smem:$0x3FA7] =	sst s0;
	s0 =	simm.s32 @!p1 $0x0  }
0x14: {  	s2 =	sld [smem:$0x3F8B];
	s0 =	simm.s32 @p1 $0x1  }
0x15: {  	[smem:$0x3FA8] =	sst s0;
	s0 =	simm.s32 @!p2 $0x0  }
0x16: {  	s3 =	sld [smem:$0x3FDB];
	s0 =	simm.s32 @p2 $0x1  }
0x17: {  	s4 =	simm.s32 $0x1BF5;
	[smem:$0x3FAA] =	sst s0  }
0x18: {  	s0 =	sld [smem:$0x3F8D];
	_ =	swait.ge [sflag:s4], $0x0  }
0x19: {  	s7 =	sld [smem:$0x3F8E]  }
0x1a: {  	s8 =	sadd.s32 $0xFFFFE003, lr  }
0x1b: {  	s9 =	sadd.s32 $0xFFFFFEF7, lr;
	s5 =	simm.s32 $0xFFFFFFFF;
	p2 =	slt.u32 s8, $0xFFFFF086  }
0x1c: {  	p1 =	slt.u32 s9, $0xF7A;
	s5 =	simm.s32 @!p2 $0x0  }
0x1d: {  	s5 =	simm.s32 @p1 $0x1;
	p0 =	seq.s32 s7, s2  }
0x1e: {  	s7 =	smul.u32 @!p0 $0xF7A, s2;
	p2 =	seq.s32 @!p0 s5, $0x0  }
0x1f: {  	s9 =	smul.u32 $0xF7A, s1;
	s8 =	simm.s32 @!p0 $0x1BF5;
	p2 =	por !p2, p0  }
0x20: {  	[sflag:s8] =	ssyncset.s32 @!p0 $0xFFFFF086;
	s6 =	sadd.s32 @!p0 s3, s7;
	s7 =	simm.s32 @!p0 $0x108  }
0x21: {  	s3 =	sadd.s32 s3, s9;
	s6 =	sadd.s32 @!p0 $0x88, s6;
	s7 =	simm.s32 @p2 $0x1082  }
0x22: {  	[simem:s7], [sflag:s8] =	dma.local @!p0 [hbm:s6], $0xF7A  }
0x23: {  	s9 =	sor.u32 $0xD0000000, s2;
	s6 =	simm.s32 $0x108;
	_ =	swait.ge @!p0 [sflag:s8], $0x0  }
0x24: {  	s3 =	sadd.s32 $0x88, s3;
	s6 =	simm.s32 @!p1 $0x1082;
	[sflag:s4] =	ssyncset.s32 $0xFFFFF086  }
0x25: {  	[simem:s6], [sflag:s4] =	dma.local [hbm:s3], $0xF7A  }
0x26: {  	[smem:$0x3F8E] =	sst s1;
	(tag) =	ssettag s2;
	_ =	strace s9  }
0x27: {  	s1 =	sld [smem:$0x3F9E]  }
0x28: {  	s2 =	sld [smem:$0x3F9F]  }
0x29: {  	s4 =	sld [smem:$0x3FA1]  }
0x2a: {  	p0 =	seq.s32 s5, $0x0;
	s5 =	sld [smem:$0x3FA2]  }
0x2b: {  	s6 =	sld [smem:$0x3FA3]  }
0x2c: {  	s7 =	sld [smem:$0x3FA4]  }
0x2d: {  	s3 =	simm.s32 $0x108;
	s8 =	sld [smem:$0x3FA5]  }
0x2e: {  	s3 =	simm.s32 @!p0 $0x1082;
	s9 =	sld [smem:$0x3FA6]  }
0x2f: {  	lr =	sadd.s32 s0, s3;
	s0 =	sld [smem:$0x3F9D]  }
0x30: {  	s3 =	sld [smem:$0x3FA0]  }
0x31: {  	[smem:$0x3FA9] =	sst s10  }
0x32: {  	s10 =	sld [smem:$0x3FA7];
	_ =	sdelay $0x3  }
0x33: {  	p0 =	seq.s32 s10, $0x1;
	s10 =	sld [smem:$0x3FA9];
	_ =	sdelay $0x3  }
0x34: {  	[smem:$0x3FA9] =	sst s10  }
0x35: {  	s10 =	sld [smem:$0x3FA8];
	_ =	sdelay $0x3  }
0x36: {  	p1 =	seq.s32 s10, $0x1;
	s10 =	sld [smem:$0x3FA9];
	_ =	sdelay $0x3  }
0x37: {  	[smem:$0x3FA9] =	sst s10  }
0x38: {  	s10 =	sld [smem:$0x3FAA]  }
0x39: {  	_ = 	snop;
	(pc) =	sbr.ind lr, $3  }
0x3a: {  	_ = 	snop  }
0x3b: {  	_ = 	snop  }
0x3c: {  	p2 =	seq.s32 s10, $0x1;
	s10 =	sld [smem:$0x3FA9]  }
0x3d: {  	_ =	shalt  }
0x3e: {  	_ =	shalt  }
0x3f: {  	_ =	shalt  }
0x40: {  	_ =	shalt  }
0x41: {  	_ =	shalt  }
0x42: {  	_ =	shalt  }
0x43: {  	_ =	shalt  }
0x44: {  	_ =	shalt  }
0x45: {  	_ =	shalt  }
0x46: {  	_ =	shalt  }
0x47: {  	_ =	shalt  }
0x48: {  	_ =	shalt  }
0x49: {  	_ =	shalt  }
0x4a: {  	_ =	shalt  }
0x4b: {  	_ =	shalt  }
0x4c: {  	_ =	shalt  }
0x4d: {  	_ =	shalt  }
0x4e: {  	_ =	shalt  }
0x4f: {  	_ =	shalt  }
0x50: {  	_ =	shalt  }
0x51: {  	_ =	shalt  }
0x52: {  	_ =	shalt  }
0x53: {  	_ =	shalt  }
0x54: {  	_ =	shalt  }
0x55: {  	_ =	shalt  }
0x56: {  	_ =	shalt  }
0x57: {  	_ =	shalt  }
0x58: {  	_ =	shalt  }
0x59: {  	_ =	shalt  }
0x5a: {  	_ =	shalt  }
0x5b: {  	_ =	shalt  }
0x5c: {  	_ =	shalt  }
0x5d: {  	_ =	shalt  }
0x5e: {  	_ =	shalt  }
0x5f: {  	_ =	shalt  }
0x60: {  	_ =	shalt  }
0x61: {  	_ =	shalt  }
0x62: {  	_ =	shalt  }
0x63: {  	_ =	shalt  }
0x64: {  	_ =	shalt  }
0x65: {  	_ =	shalt  }
0x66: {  	_ =	shalt  }
0x67: {  	_ =	shalt  }
0x68: {  	_ =	shalt  }
0x69: {  	_ =	shalt  }
0x6a: {  	_ =	shalt  }
0x6b: {  	_ =	shalt  }
0x6c: {  	_ =	shalt  }
0x6d: {  	_ =	shalt  }
0x6e: {  	_ =	shalt  }
0x6f: {  	_ =	shalt  }
0x70: {  	_ =	shalt  }
0x71: {  	_ =	shalt  }
0x72: {  	_ =	shalt  }
0x73: {  	_ =	shalt  }
0x74: {  	_ =	shalt  }
0x75: {  	_ =	shalt  }
0x76: {  	_ =	shalt  }
0x77: {  	_ =	shalt  }
0x78: {  	_ =	shalt  }
0x79: {  	_ =	shalt  }
0x7a: {  	_ =	shalt  }
0x7b: {  	_ =	shalt  }
0x7c: {  	_ =	shalt  }
0x7d: {  	_ =	shalt  }
0x7e: {  	_ =	shalt  }
0x7f: {  	_ =	shalt  }
0x80: {  	_ =	shalt  }
0x81: {  	_ =	shalt  }
0x82: {  	_ =	shalt  }
0x83: {  	_ =	shalt  }
0x84: {  	_ =	shalt  }
0x85: {  	_ =	shalt  }
0x86: {  	_ =	shalt  }
0x87: {  	_ =	shalt  }
.Lfunc_end0:
.L_simem_size_0:
called_computation_lowered:
.L_overlay_start_0:
0x88: {  	s2 =	sld [smem:$0x3FD9]  }
0x89: {  	s3 =	sld [smem:$0x3FFE];
	_ =	sdelay $0x1  }
0x8a: {  	s1 =	srdreg.scid  }
0x8b: {  	s0 =	sand.u32 $0x1, s1  }
0x8c: {  	s14 =	sshll.u32 s0, $0xA;
	s2 =	sadd.s32 s3, s2  }
0x8d: {  	s2 =	sadd.s32 s2, s14  }
0x8e: {  	[smem:$0x3FB5] =	sst s2  }
0x8f: {  	_ = 	snop  }
0x90: {  	s2 =	sld [smem:$0x3FD0];
	_ =	sdelay $0x2  }
0x91: {  	s15 =	simm.s32 $0xA;
	s4 =	simm.s32 $0x10  }
0x92: {  	[smem:s4], [sflag:s15] =	dma.local [hbm:s2], $0x1  }
0x93: {  	_ =	swait.eq [sflag:s15], $0x1  }
0x94: {  	[sflag:s15] =	ssyncset.done $0x0  }
0x95: {  	[sflag:s15] =	ssyncadd.s32 $0xFFFFFFFF  }
0x96: {  	s16 =	sld [smem:$0x10];
	(tm) =	ssettm $0x1  }
0x97: {  	s17 =	sld [smem:$0x3FFB];
	_ =	sdelay $0x3  }
0x98: {  	_ =	strace s17  }
0x99: {  	s3 =	sld [smem:$0x3FFC];
	_ =	sdelay $0x3  }
0x9a: {  	_ =	strace s3  }
0x9b: {  	s3 =	sld [smem:$0x3FFD];
	_ =	sdelay $0x3  }
0x9c: {  	_ =	strace s3  }
0x9d: {  	_ =	strace $0x8FFFFFFF  }
0x9e: {  	s18 =	sld [smem:$0x3FDB];
	_ =	sdelay $0x1  }
0x9f: {  	s19 =	simm.s32 $_scs_section_size  }
0xa0: {  	s5 =	simm.s32 $_size__tile_overlayer_lowered;
	s6 =	simm.s32 $_tile_overlayer_lowered  }
0xa1: {  	s22 =	simm.s32 $0x1BFF;
	s21 =	sshll.u32 s6, $0x1;
	s3 =	sadd.s32 s19, s18  }
0xa2: {  	s7 =	simm.s32 $0x0;
	s20 =	sshll.u32 s5, $0x1;
	s5 =	sadd.s32 s21, s3  }
0xa3: {  	[timem:s7], [sflag:s22] =	dma.local [hbm:s5], s20  }
0xa4: {  	_ =	swait.ge [sflag:s22], s20  }
0xa5: {  	s4 =	ssub.s32 $0x0, s20;
	[sflag:s22] =	ssyncset.done $0x0  }
0xa6: {  	[sflag:s22] =	ssyncadd.s32 s4;
	_ =	sdelay $0x1  }
0xa7: {  	s23 =	simm.s32 $0x1B8B  }
0xa8: {  	_ =	swait.ge [sflag:s23], $0x1  }
0xa9: {  	[sflag:s23] =	ssyncset.done $0x0  }
0xaa: {  	s25 =	simm.s32 $0x1B8E;
	s24 =	sld [smem:$0x3FFE];
	[sflag:s23] =	ssyncadd.s32 $0xFFFFFFFF  }
0xab: {  	s26 =	simm.s32 $execute0_lowered;
	[smem:$0x3FD2] =	sst s25  }
0xac: {  	s5 =	sshll.u32 s26, $0x1;
	_ =	strace $0x80000046;
	[dreg:$0x1] =	wrdreg $0xFFFFFFFF  }
0xad: {  	s28 =	simm.s32 $_size_execute0_lowered;
	s3 =	sadd.s32 s3, s5;
	[dreg:$0x0] =	wrdreg $0x0  }
0xae: {  	s5 =	sshll.u32 s28, $0x1;
	[dreg:$0x2] =	wrdreg s3  }
0xaf: {  	[dreg:$0x3] =	wrdreg s5  }
0xb0: {  	[dreg:$0x4] =	wrdreg $0xC0  }
0xb1: {  	_ =	task [dreg:s7], $0x5FFFF  }
0xb2: {  	[dreg:$0x1] =	wrdreg $0xFFFFFFFF  }
0xb3: {  	[dreg:$0x0] =	wrdreg $0x60  }
0xb4: {  	[dreg:$0x2] =	wrdreg s24  }
0xb5: {  	[dreg:$0x3] =	wrdreg s16  }
0xb6: {  	[dreg:$0x4] =	wrdreg $0x9  }
0xb7: {  	_ =	task.clear_ibuf [dreg:s7], $0x5FFFF;
	_ =	strace $0x90000046  }
0xb8: {  	s29 =	simm.s32 $0x9;
	_ =	strace $0x80000048  }
0xb9: {  	_ =	swait.ge [sflag:s29], $0x1  }
0xba: {  	[sflag:s29] =	ssyncadd.s32 $0xFFFFFFFF  }
0xbb: {  	_ =	strace $0x90000048  }
0xbc: {  	_ =	sfence  }
0xbd: {  	s30 =	sld [smem:$0x0];
	_ =	sdelay $0x2  }
0xbe: {  	s31 =	sshll.u32 s1, $0xD;
	s1 =	sshrl.u32 s1, $0x2  }
0xbf: {  	s3 =	sand.u32 $0x4000, s31;
	s1 =	sadd.s32 s1, s30  }
0xc0: {  	s0 =	sor.u32 s3, s0;
	s1 =	sshll.u32 s1, $0x11  }
0xc1: {  	s0 =	sor.u32 s1, s0  }
0xc2: {  	s0 =	sadd.s32 $0x8F2B, s0  }
0xc3: {  	[sflag:s0] =	ssyncadd.remote.s32 $0x1  }
0xc4: {  	_ =	sfence.sel $0xFFFF  }
0xc5: {  	[dreg:$0x0] =	wrdreg $0xFFFFFFFF;
	(pc) =	sbr.abs _section_cstart, $3  }
0xc6: {  	[dreg:$0x1] =	wrdreg $0xFFFFFFFF  }
0xc7: {  	_ =	task.clear_ibuf [dreg:s7], $0x2FFFF;
	_ =	strace $0x9FFFFFFF  }
0xc8: {  	(tm) =	ssettm $0x7FFFFFFF  }
0xc9: {  	_ =	shalt  }
tec
execute0_lowered:
.L_overlay_start_1:
0x0: {  	(tag) =	ssettag $0x1  }
0x1: {  	s1 =	srdreg.scid  }
0x2: {  	s8 =	rddreg [dreg:$0x0];
	s0 =	stileid.u32  }
0x3: {  	s3 =	rddreg [dreg:$0x1];
	s2 =	simm.s32 $0x0;
	s6 =	sand.u32 $0x1, s1  }
0x4: {  	s4 =	sshll.u32 s0, $0x8;
	s1 =	rddreg [dreg:$0x2];
	s5 =	sshll.u32 s6, $0x7  }
0x5: {  	s7 =	simm.s32 $0x1;
	[smem:$0x7FF] =	sst s2;
	s9 =	sor.u32 s5, s4  }
0x6: {  	_ =	strace $0x80000047;
	s10 =	ssub.s32 $0x2, s6;
	s4 =	sshrl.u32 s9, $0x3  }
0x7: {  	s6 =	simm.s32 $0x80;
	s4 =	sadd.s32 s3, s4;
	s3 =	simm.s32 $0x2  }
0x8: {  	[tilespmem:s2], [sflag:$0x2] =	stream.linear.gather [hbm4b:s4+s2], $0x80, $0x38;
	[tilespmem:$0x4080] =	vst v63  }
0x9: {  	s5 =	sadd.s32 $0x12E1C00, s8;
	s11 =	sshrl.u32 s10, $0x1;
	_ =	swait.ge [sflag:s3], $0x80  }
0xa: {  	s9 =	sshll.u32 s9, $0x4;
	s31 =	ssub.s32 s10, s11;
	[sflag:s3] =	ssyncset.done $0x0  }
0xb: {  	s8 =	sadd.s32 s9, s8;
	s9 =	smax.u32 s31, $0x1;
	[sflag:s3] =	ssyncadd.s32 $0xFFFFFF80  }
0xc: {  	[tilespmem:s6], [sflag:$0x1] =	stream.indirect.gather [hbm4b:s5+s6], $0x80, s2, s6, $0xb8;
	[tilespmem:$0x4080] =	vst v63  }
0xd: {  	p0 =	sne.s32 s9, $0x1;
	_ =	swait.ge [sflag:s7], $0x4000  }
.Ltmp0:
0xe: {  	[sflag:s7] =	ssyncset.done $0x0;
	(pc) =	sbr.rel @!p0 .LBB2_2-.Ltmp0, $4  }
0xf: {  	s8 =	sadd.s32 $0x2800, s8;
	[sflag:s7] =	ssyncadd.s32 $0xFFFFC000  }
0x10: {  	[hbm4b:s8+s2] =	stream.linear.scatter [tilespmem:s6], [sflag:$0x2], $0x4000, $0x38;
	[tilespmem:$0x4080] =	vst v63  }
0x11: {  	_ =	swait.ge [sflag:s3], $0x4000  }
0x12: {  	s9 =	sadd.s32 $0xFFFFFFFF, s9;
	[sflag:s3] =	ssyncset.done $0x0  }
.LBB2_1:
0x13: {  	p0 =	sne.s32 s9, $0x1;
	s9 =	sadd.s32 $0xFFFFFFFF, s9;
	[sflag:s3] =	ssyncadd.s32 $0xFFFFC000  }
0x14: {  	[tilespmem:s2], [sflag:$0x2] =	stream.linear.gather [hbm4b:s4+s2], $0x80, $0x38;
	[tilespmem:$0x4080] =	vst v63  }
0x15: {  	_ =	swait.ge [sflag:s3], $0x80  }
0x16: {  	[sflag:s3] =	ssyncset.done $0x0  }
0x17: {  	[sflag:s3] =	ssyncadd.s32 $0xFFFFFF80  }
0x18: {  	[tilespmem:s6], [sflag:$0x1] =	stream.indirect.gather [hbm4b:s5+s6], $0x80, s2, s6, $0xb8;
	[tilespmem:$0x4080] =	vst v63  }
0x19: {  	_ =	swait.ge [sflag:s7], $0x4000  }
.Ltmp1:
0x1a: {  	[sflag:s7] =	ssyncset.done $0x0;
	(pc) =	sbr.rel @p0 .LBB2_1-.Ltmp1, $4  }
0x1b: {  	[sflag:s7] =	ssyncadd.s32 $0xFFFFC000  }
0x1c: {  	[hbm4b:s8+s2] =	stream.linear.scatter [tilespmem:s6], [sflag:$0x2], $0x4000, $0x38;
	[tilespmem:$0x4080] =	vst v63  }
0x1d: {  	_ =	swait.ge [sflag:s3], $0x4000  }
0x1e: {  	[sflag:s3] =	ssyncset.done $0x0  }
.LBB2_2:
0x1f: {  	[sflag:s3] =	ssyncadd.s32 $0xFFFFC000  }
0x20: {  	_ =	sfence.sel $0x180000  }
0x21: {  	[bflag:$0x0] =	sbarrier.arrive $0xFFFF  }
0x22: {  	p0 =	sne.s32 s0, $0x0;
	_ =	strace $0x90000047  }
0x23: {  	s0 =	sadd.s32 @!p0 $0x100000, s1;
	[bflag:$0x2] =	sbarrier.arrive $0xFFFF  }
0x24: {  	[sflag:s0] =	ssyncadd.tile.s32 @!p0 $0x1;
	_ =	shalt  }
.Lfunc_end2:
_tile_overlayer_lowered:
.L_overlay_start_2:
0x25: {  	(tag) =	ssettag $0x2  }
0x26: {  	s0 =	rddreg [dreg:$0x0];
	s2 =	stileid.u32  }
0x27: {  	s1 =	rddreg [dreg:$0x1];
	p0 =	sne.s32 s2, $0x0  }
0x28: {  	s3 =	rddreg [dreg:$0x2];
	[bflag:$0x3] =	sbarrier.arrive $0xFFFF;
	s2 =	simm.s32 @!p0 $0x1C02  }
0x29: {  	[timem:s3], [sflag:s2] =	dma.local @!p0 [hbm:s0], s1  }
0x2a: {  	s0 =	simm.s32 @!p0 $0x2  }
0x2b: {  	_ =	swait.ge @!p0 [sflag:s0], s1  }
0x2c: {  	s1 =	ssub.s32 @!p0 $0x0, s1;
	[sflag:s0] =	ssyncset.done @!p0 $0x0  }
0x2d: {  	[sflag:s0] =	ssyncadd.s32 @!p0 s1  }
0x2e: {  	[bflag:$0x3] =	sbarrier.arrive $0xFFFF  }
0x2f: {  	_ =	shalt  }

</sc_bundles>
